<compile_context>
chip_gen: v7x
topology: tpu7x:2x2x1
jax: 0.10.2.dev20260603
libtpu: 0.0.44.dev20260713+nightly
codegen_flags: <defaults>
</compile_context>

<pallas_src>
import functools

import jax
import jax.numpy as jnp
from jax import lax
from jax.experimental import pallas as pl
from jax.experimental.pallas import tpu as pltpu
from jax.experimental.pallas import tpu_sc as plsc

F32 = jnp.float32
I32 = jnp.int32

NC = 2
NS = 16
NW = NC * NS
K = 80


def _proj_body(x_r, ea_r, w_r, as_r, ad_r, mb_r, h_r, asrc_r, adst_r, ae_r):
    xb = x_r[...]
    h_r[...] = jnp.dot(xb, w_r[...], preferred_element_type=F32)
    asrc_r[...] = jnp.dot(xb, as_r[...], preferred_element_type=F32)
    adst_r[...] = jnp.dot(xb, ad_r[...], preferred_element_type=F32)
    ae_r[...] = jnp.dot(ea_r[...], mb_r[...], preferred_element_type=F32)


def _tc_proj(x, ea2, W, A_src16, A_dst16, Mbig):
    n, d = x.shape
    er, ek = ea2.shape
    em = Mbig.shape[1]
    bp = 1000
    grid = (n // bp,)
    return pl.pallas_call(
        _proj_body,
        grid=grid,
        in_specs=[
            pl.BlockSpec((bp, d), lambda i: (i, 0)),
            pl.BlockSpec((bp, ek), lambda i: (i, 0)),
            pl.BlockSpec((d, 128), lambda i: (0, 0)),
            pl.BlockSpec((d, 16), lambda i: (0, 0)),
            pl.BlockSpec((d, 16), lambda i: (0, 0)),
            pl.BlockSpec((ek, em), lambda i: (0, 0)),
        ],
        out_specs=[
            pl.BlockSpec((bp, 128), lambda i: (i, 0)),
            pl.BlockSpec((bp, 16), lambda i: (i, 0)),
            pl.BlockSpec((bp, 16), lambda i: (i, 0)),
            pl.BlockSpec((bp, em), lambda i: (i, 0)),
        ],
        out_shape=[
            jax.ShapeDtypeStruct((n, 128), F32),
            jax.ShapeDtypeStruct((n, 16), F32),
            jax.ShapeDtypeStruct((n, 16), F32),
            jax.ShapeDtypeStruct((er, em), F32),
        ],
    )(x, ea2, W, A_src16, A_dst16, Mbig)


def _make_sc_kernel(n_nodes, n_pad, n_edges):
    epw = n_edges // NW
    nch = epw // K
    assert nch * K == epw
    rps = n_pad // NS
    assert rps % 8 == 0
    mesh = plsc.VectorSubcoreMesh(
        core_axis_name="c", subcore_axis_name="s",
        num_cores=NC, num_subcores=NS)

    @functools.partial(
        pl.kernel,
        out_type=(
            jax.ShapeDtypeStruct((NC, n_pad, 128), F32),
            jax.ShapeDtypeStruct((NC, n_pad, 16), F32),
        ),
        mesh=mesh,
        compiler_params=pltpu.CompilerParams(use_tc_tiling_on_sc=False),
        scratch_types=(
            pltpu.VMEM_SHARED((n_pad, 128), F32),
            pltpu.VMEM_SHARED((n_pad, 16), F32),
            pltpu.VMEM((K,), I32),
            pltpu.VMEM((K,), I32),
            pltpu.VMEM((K, 16), F32),
            pltpu.VMEM((K, 16), F32),
            pltpu.VMEM((K, 16), F32),
            pltpu.VMEM((K, 16), F32),
            pltpu.VMEM((K, 128), F32),
            pltpu.SemaphoreType.DMA,
            pltpu.SemaphoreType.DMA,
            pltpu.SemaphoreType.DMA,
        ),
    )
    def sc_gat(h_hbm, asrc_hbm, adst_hbm, ae_hbm, src_hbm, dst_hbm,
               z_hbm, zd_hbm,
               raw_out, den_out,
               raw_sp, den_sp, src_v, dst_v, asrc_v, adst_v, ae_v,
               srows_v, rows_v, sem0, sem1, sem2):
        cid = lax.axis_index("c")
        sid = lax.axis_index("s")
        wid = sid * NC + cid

        pltpu.sync_copy(z_hbm.at[pl.ds(sid * rps, rps)],
                        raw_sp.at[pl.ds(sid * rps, rps)])
        pltpu.sync_copy(zd_hbm.at[pl.ds(sid * rps, rps)],
                        den_sp.at[pl.ds(sid * rps, rps)])
        plsc.subcore_barrier()

        base = wid * epw

        def do_chunk(e0):
            pltpu.sync_copy(src_hbm.at[pl.ds(e0, K)], src_v)
            pltpu.sync_copy(dst_hbm.at[pl.ds(e0, K)], dst_v)
            cph = pltpu.async_copy(h_hbm.at[src_v], rows_v, sem0)
            cpa = pltpu.async_copy(asrc_hbm.at[src_v], asrc_v, sem1)
            cpb = pltpu.async_copy(adst_hbm.at[dst_v], adst_v, sem2)
            pltpu.sync_copy(ae_hbm.at[pl.ds(e0, K)], ae_v)
            cpa.wait()
            cpb.wait()

            def alpha_body(e, c):
                al = asrc_v[e, :] + adst_v[e, :] + ae_v[e, :]
                al = jnp.where(al >= 0.0, al, al * 0.2)
                srows_v[e, :] = jnp.exp(al)
                return c

            lax.fori_loop(0, K, alpha_body, 0)
            pltpu.sync_copy(srows_v, den_sp.at[dst_v], add=True)
            cph.wait()

            gdn = lax.GatherDimensionNumbers(
                offset_dims=(), collapsed_slice_dims=(0,),
                start_index_map=(0,))

            def mul_body(e, c):
                s16 = srows_v[e, :]
                for hh in range(4):
                    sv = lax.gather(
                        s16, jnp.full((16, 1), hh, I32), gdn,
                        slice_sizes=(1,),
                        mode=lax.GatherScatterMode.PROMISE_IN_BOUNDS)
                    for q in range(2):
                        off = hh * 32 + q * 16
                        rows_v[e, pl.ds(off, 16)] = (
                            rows_v[e, pl.ds(off, 16)] * sv)
                return c

            lax.fori_loop(0, K, mul_body, 0)
            pltpu.sync_copy(rows_v, raw_sp.at[dst_v], add=True)

        def chunk_body(ci, carry):
            do_chunk(base + ci * K)
            return carry

        lax.fori_loop(0, nch, chunk_body, 0)

        plsc.subcore_barrier()
        pltpu.sync_copy(raw_sp.at[pl.ds(sid * rps, rps)],
                        raw_out.at[cid, pl.ds(sid * rps, rps)])
        pltpu.sync_copy(den_sp.at[pl.ds(sid * rps, rps)],
                        den_out.at[cid, pl.ds(sid * rps, rps)])

    return sc_gat


def _finalize_body(x_r, raw_r, den_r, rmat_r, b_r, g_r, be_r, out_r):
    agg = raw_r[0] + raw_r[1]
    den = den_r[0] + den_r[1]
    dexp = jnp.dot(den, rmat_r[...], preferred_element_type=F32)
    o = x_r[...] + agg / (dexp + 1e-16) + b_r[...]
    mu = jnp.mean(o, axis=-1, keepdims=True)
    d = o - mu
    var = jnp.mean(d * d, axis=-1, keepdims=True)
    out_r[...] = d * lax.rsqrt(var + 1e-5) * g_r[...] + be_r[...]


def _tc_finalize(x, raw, den, rmat, bias, gamma, beta):
    n, dd = x.shape
    bp = 1000
    grid = (n // bp,)
    return pl.pallas_call(
        _finalize_body,
        grid=grid,
        in_specs=[
            pl.BlockSpec((bp, dd), lambda i: (i, 0)),
            pl.BlockSpec((NC, bp, 128), lambda i: (0, i, 0)),
            pl.BlockSpec((NC, bp, 16), lambda i: (0, i, 0)),
            pl.BlockSpec((16, 128), lambda i: (0, 0)),
            pl.BlockSpec((1, 128), lambda i: (0, 0)),
            pl.BlockSpec((1, 128), lambda i: (0, 0)),
            pl.BlockSpec((1, 128), lambda i: (0, 0)),
        ],
        out_specs=pl.BlockSpec((bp, dd), lambda i: (i, 0)),
        out_shape=jax.ShapeDtypeStruct((n, dd), F32),
    )(x, raw, den, rmat, bias, gamma, beta)


def kernel(x, edge_index, edge_attr, W, att_src, att_dst, W_edge, att_edge,
           bias, ln_gamma, ln_beta):
    n, d = x.shape
    e = edge_index.shape[1]
    h_heads, c = att_src.shape
    ed = edge_attr.shape[1]

    ei = edge_index.astype(I32)

    A_src = (W.reshape(d, h_heads, c) * att_src[None]).sum(-1)
    A_dst = (W.reshape(d, h_heads, c) * att_dst[None]).sum(-1)
    pad12 = jnp.zeros((d, 16 - h_heads), F32)
    A_src16 = jnp.concatenate([A_src, pad12], axis=1)
    A_dst16 = jnp.concatenate([A_dst, pad12], axis=1)
    M4 = (W_edge.reshape(ed, h_heads, c) * att_edge[None]).sum(-1)
    M16 = jnp.concatenate(
        [M4, jnp.zeros((ed, 16 - h_heads), F32)], axis=1)
    Mbig = jnp.kron(jnp.eye(32, dtype=F32), M16)
    ea2 = edge_attr.reshape(e // 32, ed * 32)

    h, asrc16, adst16, aef = _tc_proj(x, ea2, W, A_src16, A_dst16, Mbig)
    ae16 = aef.reshape(e, 16)

    n_pad = ((n + NS * 8 - 1) // (NS * 8)) * NS * 8
    zeros = jnp.zeros((n_pad, 128), F32)
    zerosd = jnp.zeros((n_pad, 16), F32)
    sc = _make_sc_kernel(n, n_pad, e)
    raw, den = sc(h, asrc16, adst16, ae16, ei[0], ei[1], zeros, zerosd)

    rmat = jnp.concatenate(
        [jnp.kron(jnp.eye(4, dtype=F32), jnp.ones((1, 32), F32)),
         jnp.zeros((12, 128), F32)], axis=0)
    out = _tc_finalize(x, raw, den, rmat,
                       bias.reshape(1, 128), ln_gamma.reshape(1, 128),
                       ln_beta.reshape(1, 128))
    return out

# --- scband reference (transcript-rebuilt; emitter-appended) ---
"""Pipeline reference for scband-gatlayer-68478958567728 (READ-ONLY COPY).

The authoritative reference and input builder live on the scoring server;
editing this copy changes nothing except your own understanding.
"""

import jax, jax.numpy as jnp
import numpy as np

N = 10000
E = 320000
D = 128
H = 4
C = 32  # out_dim // num_heads
ED = 10

def setup_inputs(seed: int = 0) -> dict:
    key = jax.random.key(seed)
    ks = jax.random.split(key, 12)
    x = jax.random.normal(ks[0], (N, D), dtype=jnp.float32)
    edge_index = jax.random.randint(ks[1], (2, E), 0, N, dtype=jnp.int64)
    edge_attr = jax.random.normal(ks[2], (E, ED), dtype=jnp.float32)
    # GATConv parameters (glorot-ish init)
    W = jax.random.normal(ks[3], (D, H * C), dtype=jnp.float32) * (1.0 / np.sqrt(D))
    att_src = jax.random.normal(ks[4], (H, C), dtype=jnp.float32) * 0.1
    att_dst = jax.random.normal(ks[5], (H, C), dtype=jnp.float32) * 0.1
    W_edge = jax.random.normal(ks[6], (ED, H * C), dtype=jnp.float32) * (1.0 / np.sqrt(ED))
    att_edge = jax.random.normal(ks[7], (H, C), dtype=jnp.float32) * 0.1
    bias = jnp.zeros((H * C,), dtype=jnp.float32)
    ln_gamma = jnp.ones((H * C,), dtype=jnp.float32)
    ln_beta = jnp.zeros((H * C,), dtype=jnp.float32)
    return {"x": x, "edge_index": edge_index, "edge_attr": edge_attr, "W": W,
            "att_src": att_src, "att_dst": att_dst, "W_edge": W_edge,
            "att_edge": att_edge, "bias": bias, "ln_gamma": ln_gamma, "ln_beta": ln_beta}

def reference(x, edge_index, edge_attr, W, att_src, att_dst, W_edge, att_edge, bias, ln_gamma, ln_beta):
    src = edge_index[0]
    dst = edge_index[1]
    n = x.shape[0]
    # linear projection -> per-head features
    h = (x @ W).reshape(n, H, C)
    # attention logits (PyG GATConv style)
    a_src = (h * att_src[None, :, :]).sum(-1)   # [N, H]
    a_dst = (h * att_dst[None, :, :]).sum(-1)   # [N, H]
    e = (edge_attr @ W_edge).reshape(-1, H, C)  # [E, H, C]
    a_edge = (e * att_edge[None, :, :]).sum(-1) # [E, H]
    alpha = a_src[src] + a_dst[dst] + a_edge    # [E, H]
    alpha = jax.nn.leaky_relu(alpha, 0.2)
    # softmax over incoming edges per destination node
    amax = jax.ops.segment_max(alpha, dst, num_segments=n)
    amax = jnp.where(jnp.isfinite(amax), amax, 0.0)
    ex = jnp.exp(alpha - amax[dst])
    denom = jax.ops.segment_sum(ex, dst, num_segments=n)
    alpha = ex / (denom[dst] + 1e-16)
    # messages and aggregation (dropout is identity in eval mode)
    msg = h[src] * alpha[..., None]             # [E, H, C]
    out = jax.ops.segment_sum(msg, dst, num_segments=n).reshape(n, H * C) + bias
    # residual (in_dim == out_dim so shapes match)
    out = x + out
    # layer norm
    mean = out.mean(axis=-1, keepdims=True)
    var = out.var(axis=-1, keepdims=True)
    out = (out - mean) / jnp.sqrt(var + 1e-5) * ln_gamma + ln_beta
    return out

if __name__ == "__main__":
    import jax
    _d = setup_inputs()
    print(jax.jit(kernel)(*tuple(_d.values())))

</pallas_src>

<mosaic_0001>
#map = affine_map<(d0, d1) -> (0, 0)>
#map1 = affine_map<(d0, d1) -> (0)>
#map2 = affine_map<(d0, d1) -> (0, 0, 0)>
module attributes {stable_mosaic.version = 14 : i64} {
  func.func @sc_gat(%arg0: i32, %arg1: i32, %arg2: memref<10000x128xf32, #tpu.memory_space<hbm>>, %arg3: memref<10000x16xf32, #tpu.memory_space<hbm>>, %arg4: memref<10000x16xf32, #tpu.memory_space<hbm>>, %arg5: memref<320000x16xf32, #tpu.memory_space<hbm>>, %arg6: memref<320000xi32, #tpu.memory_space<hbm>>, %arg7: memref<320000xi32, #tpu.memory_space<hbm>>, %arg8: memref<10112x128xf32, #tpu.memory_space<hbm>>, %arg9: memref<10112x16xf32, #tpu.memory_space<hbm>>, %arg10: memref<2x10112x128xf32, #tpu.memory_space<hbm>>, %arg11: memref<2x10112x16xf32, #tpu.memory_space<hbm>>, %arg12: memref<10112x128xf32, #tpu.memory_space<vmem_shared>>, %arg13: memref<10112x16xf32, #tpu.memory_space<vmem_shared>>, %arg14: memref<80xi32, #tpu.memory_space<vmem>>, %arg15: memref<80xi32, #tpu.memory_space<vmem>>, %arg16: memref<80x16xf32, #tpu.memory_space<vmem>>, %arg17: memref<80x16xf32, #tpu.memory_space<vmem>>, %arg18: memref<80x16xf32, #tpu.memory_space<vmem>>, %arg19: memref<80x16xf32, #tpu.memory_space<vmem>>, %arg20: memref<80x128xf32, #tpu.memory_space<vmem>>, %arg21: memref<!tpu.dma_semaphore, #tpu.memory_space<semaphore_mem>>, %arg22: memref<!tpu.dma_semaphore, #tpu.memory_space<semaphore_mem>>, %arg23: memref<!tpu.dma_semaphore, #tpu.memory_space<semaphore_mem>>) attributes {dimension_semantics = [#tpu.dimension_semantics<core_parallel>, #tpu.dimension_semantics<subcore_parallel>], iteration_bounds = array<i64: 2, 16>, scalar_prefetch = 0 : i64, scratch_operands = 12 : i64, tpu.core_type = #tpu.core_type<sc_vector_subcore>, window_params = [{transform_indices = #map}, {transform_indices = #map}, {transform_indices = #map}, {transform_indices = #map}, {transform_indices = #map1}, {transform_indices = #map1}, {transform_indices = #map}, {transform_indices = #map}, {transform_indices = #map2}, {transform_indices = #map2}]} {
    %mul3A = arith.constant 2 : i32
    %mul3A_0 = arith.muli %arg1, %mul3A : i32
    %add3A = arith.addi %mul3A_0, %arg0 : i32
    %mul3A_1 = arith.constant 632 : i32
    %mul3A_2 = arith.muli %arg1, %mul3A_1 : i32
    %mul3A_3 = arith.constant 632 : i32
    %mul3A_4 = arith.muli %arg1, %mul3A_3 : i32
    "tpu.region"() ({
      %run_scoped3A = tpu.sem_alloc : memref<!tpu.dma_semaphore, #tpu.memory_space<semaphore_mem>>
      %dma_start3A = arith.constant 0 : i32
      %dma_start3A_25 = tpu.memref_slice %arg12[%mul3A_4, %dma_start3A] : memref<10112x128xf32, #tpu.memory_space<vmem_shared>> -> memref<632x128xf32, #tpu.memory_space<vmem_shared>>
      %dma_start3A_26 = arith.constant 0 : i32
      %dma_start3A_27 = tpu.memref_slice %arg8[%mul3A_2, %dma_start3A_26] : memref<10112x128xf32, #tpu.memory_space<hbm>> -> memref<632x128xf32, #tpu.memory_space<hbm>>
      tpu.enqueue_dma source(%dma_start3A_27 : memref<632x128xf32, #tpu.memory_space<hbm>>) target(%dma_start3A_25 : memref<632x128xf32, #tpu.memory_space<vmem_shared>>) target_semaphore(%run_scoped3A : memref<!tpu.dma_semaphore, #tpu.memory_space<semaphore_mem>>)
      %dma_wait3A = arith.constant 0 : i32
      %dma_wait3A_28 = tpu.memref_slice %arg12[%mul3A_4, %dma_wait3A] : memref<10112x128xf32, #tpu.memory_space<vmem_shared>> -> memref<632x128xf32, #tpu.memory_space<vmem_shared>>
      %dma_wait3A_29 = arith.constant 0 : i32
      %dma_wait3A_30 = tpu.memref_slice %arg8[%mul3A_2, %dma_wait3A_29] : memref<10112x128xf32, #tpu.memory_space<hbm>> -> memref<632x128xf32, #tpu.memory_space<hbm>>
      tpu.wait_dma2 semaphore(%run_scoped3A : memref<!tpu.dma_semaphore, #tpu.memory_space<semaphore_mem>>) src(%dma_wait3A_30 : memref<632x128xf32, #tpu.memory_space<hbm>>) dst(%dma_wait3A_28 : memref<632x128xf32, #tpu.memory_space<vmem_shared>>)
      tpu.yield
    }) : () -> ()
    %mul3A_5 = arith.constant 632 : i32
    %mul3A_6 = arith.muli %arg1, %mul3A_5 : i32
    %mul3A_7 = arith.constant 632 : i32
    %mul3A_8 = arith.muli %arg1, %mul3A_7 : i32
    "tpu.region"() ({
      %run_scoped3A = tpu.sem_alloc : memref<!tpu.dma_semaphore, #tpu.memory_space<semaphore_mem>>
      %dma_start3A = arith.constant 0 : i32
      %dma_start3A_25 = tpu.memref_slice %arg13[%mul3A_8, %dma_start3A] : memref<10112x16xf32, #tpu.memory_space<vmem_shared>> -> memref<632x16xf32, #tpu.memory_space<vmem_shared>>
      %dma_start3A_26 = arith.constant 0 : i32
      %dma_start3A_27 = tpu.memref_slice %arg9[%mul3A_6, %dma_start3A_26] : memref<10112x16xf32, #tpu.memory_space<hbm>> -> memref<632x16xf32, #tpu.memory_space<hbm>>
      tpu.enqueue_dma source(%dma_start3A_27 : memref<632x16xf32, #tpu.memory_space<hbm>>) target(%dma_start3A_25 : memref<632x16xf32, #tpu.memory_space<vmem_shared>>) target_semaphore(%run_scoped3A : memref<!tpu.dma_semaphore, #tpu.memory_space<semaphore_mem>>)
      %dma_wait3A = arith.constant 0 : i32
      %dma_wait3A_28 = tpu.memref_slice %arg13[%mul3A_8, %dma_wait3A] : memref<10112x16xf32, #tpu.memory_space<vmem_shared>> -> memref<632x16xf32, #tpu.memory_space<vmem_shared>>
      %dma_wait3A_29 = arith.constant 0 : i32
      %dma_wait3A_30 = tpu.memref_slice %arg9[%mul3A_6, %dma_wait3A_29] : memref<10112x16xf32, #tpu.memory_space<hbm>> -> memref<632x16xf32, #tpu.memory_space<hbm>>
      tpu.wait_dma2 semaphore(%run_scoped3A : memref<!tpu.dma_semaphore, #tpu.memory_space<semaphore_mem>>) src(%dma_wait3A_30 : memref<632x16xf32, #tpu.memory_space<hbm>>) dst(%dma_wait3A_28 : memref<632x16xf32, #tpu.memory_space<vmem_shared>>)
      tpu.yield
    }) : () -> ()
    %barrier3A = arith.constant 0 : index
    tpu.barrier barrier_id(%barrier3A)
    %mul3A_9 = arith.constant 10000 : i32
    %mul3A_10 = arith.muli %add3A, %mul3A_9 : i32
    %scan3A = arith.constant 0 : i32
    %scan3A_11 = arith.constant 0 : i32
    %scan3A_12 = arith.constant 125 : i32
    %scan3A_13 = arith.addi %scan3A_11, %scan3A_12 : i32
    %scan3A_14 = arith.constant 1 : i32
    scf.for %scan3A_25 = %scan3A_11 to %scan3A_13 step %scan3A_14  : i32 {
      %mul3A_26 = arith.constant 80 : i32
      %mul3A_27 = arith.muli %scan3A_25, %mul3A_26 : i32
      %add3A_28 = arith.addi %mul3A_10, %mul3A_27 : i32
      "tpu.region"() ({
        %run_scoped3A = tpu.sem_alloc : memref<!tpu.dma_semaphore, #tpu.memory_space<semaphore_mem>>
        %dma_start3A_57 = tpu.memref_slice %arg6[%add3A_28] : memref<320000xi32, #tpu.memory_space<hbm>> -> memref<80xi32, #tpu.memory_space<hbm>>
        %dma_start3A_58 = tpu.memref_slice %arg6[%add3A_28] : memref<320000xi32, #tpu.memory_space<hbm>> -> memref<80xi32, #tpu.memory_space<hbm>>
        tpu.enqueue_dma source(%dma_start3A_58 : memref<80xi32, #tpu.memory_space<hbm>>) target(%arg14 : memref<80xi32, #tpu.memory_space<vmem>>) target_semaphore(%run_scoped3A : memref<!tpu.dma_semaphore, #tpu.memory_space<semaphore_mem>>)
        %dma_wait3A_59 = tpu.memref_slice %arg6[%add3A_28] : memref<320000xi32, #tpu.memory_space<hbm>> -> memref<80xi32, #tpu.memory_space<hbm>>
        %dma_wait3A_60 = tpu.memref_slice %arg6[%add3A_28] : memref<320000xi32, #tpu.memory_space<hbm>> -> memref<80xi32, #tpu.memory_space<hbm>>
        tpu.wait_dma2 semaphore(%run_scoped3A : memref<!tpu.dma_semaphore, #tpu.memory_space<semaphore_mem>>) src(%dma_wait3A_60 : memref<80xi32, #tpu.memory_space<hbm>>) dst(%arg14 : memref<80xi32, #tpu.memory_space<vmem>>)
        tpu.yield
      }) : () -> ()
      "tpu.region"() ({
        %run_scoped3A = tpu.sem_alloc : memref<!tpu.dma_semaphore, #tpu.memory_space<semaphore_mem>>
        %dma_start3A_57 = tpu.memref_slice %arg7[%add3A_28] : memref<320000xi32, #tpu.memory_space<hbm>> -> memref<80xi32, #tpu.memory_space<hbm>>
        %dma_start3A_58 = tpu.memref_slice %arg7[%add3A_28] : memref<320000xi32, #tpu.memory_space<hbm>> -> memref<80xi32, #tpu.memory_space<hbm>>
        tpu.enqueue_dma source(%dma_start3A_58 : memref<80xi32, #tpu.memory_space<hbm>>) target(%arg15 : memref<80xi32, #tpu.memory_space<vmem>>) target_semaphore(%run_scoped3A : memref<!tpu.dma_semaphore, #tpu.memory_space<semaphore_mem>>)
        %dma_wait3A_59 = tpu.memref_slice %arg7[%add3A_28] : memref<320000xi32, #tpu.memory_space<hbm>> -> memref<80xi32, #tpu.memory_space<hbm>>
        %dma_wait3A_60 = tpu.memref_slice %arg7[%add3A_28] : memref<320000xi32, #tpu.memory_space<hbm>> -> memref<80xi32, #tpu.memory_space<hbm>>
        tpu.wait_dma2 semaphore(%run_scoped3A : memref<!tpu.dma_semaphore, #tpu.memory_space<semaphore_mem>>) src(%dma_wait3A_60 : memref<80xi32, #tpu.memory_space<hbm>>) dst(%arg15 : memref<80xi32, #tpu.memory_space<vmem>>)
        tpu.yield
      }) : () -> ()
      %dma_start3A = arith.constant 0 : i32
      %dma_start3A_29 = arith.constant 0 : i32
      %dma_start3A_30 = tpu.memref_slice %arg2[%dma_start3A, %dma_start3A_29] : memref<10000x128xf32, #tpu.memory_space<hbm>> -> memref<10000x128xf32, #tpu.memory_space<hbm>>
      tpu.enqueue_indirect_dma source(%dma_start3A_30 : memref<10000x128xf32, #tpu.memory_space<hbm>>) target(%arg20 : memref<80x128xf32, #tpu.memory_space<vmem>>) offsets(%arg14 : memref<80xi32, #tpu.memory_space<vmem>>) semaphore(%arg21 : memref<!tpu.dma_semaphore, #tpu.memory_space<semaphore_mem>>)
      %dma_start3A_31 = arith.constant 0 : i32
      %dma_start3A_32 = arith.constant 0 : i32
      %dma_start3A_33 = tpu.memref_slice %arg3[%dma_start3A_31, %dma_start3A_32] : memref<10000x16xf32, #tpu.memory_space<hbm>> -> memref<10000x16xf32, #tpu.memory_space<hbm>>
      tpu.enqueue_indirect_dma source(%dma_start3A_33 : memref<10000x16xf32, #tpu.memory_space<hbm>>) target(%arg16 : memref<80x16xf32, #tpu.memory_space<vmem>>) offsets(%arg14 : memref<80xi32, #tpu.memory_space<vmem>>) semaphore(%arg22 : memref<!tpu.dma_semaphore, #tpu.memory_space<semaphore_mem>>)
      %dma_start3A_34 = arith.constant 0 : i32
      %dma_start3A_35 = arith.constant 0 : i32
      %dma_start3A_36 = tpu.memref_slice %arg4[%dma_start3A_34, %dma_start3A_35] : memref<10000x16xf32, #tpu.memory_space<hbm>> -> memref<10000x16xf32, #tpu.memory_space<hbm>>
      tpu.enqueue_indirect_dma source(%dma_start3A_36 : memref<10000x16xf32, #tpu.memory_space<hbm>>) target(%arg17 : memref<80x16xf32, #tpu.memory_space<vmem>>) offsets(%arg15 : memref<80xi32, #tpu.memory_space<vmem>>) semaphore(%arg23 : memref<!tpu.dma_semaphore, #tpu.memory_space<semaphore_mem>>)
      "tpu.region"() ({
        %run_scoped3A = tpu.sem_alloc : memref<!tpu.dma_semaphore, #tpu.memory_space<semaphore_mem>>
        %dma_start3A_57 = arith.constant 0 : i32
        %dma_start3A_58 = tpu.memref_slice %arg5[%add3A_28, %dma_start3A_57] : memref<320000x16xf32, #tpu.memory_space<hbm>> -> memref<80x16xf32, #tpu.memory_space<hbm>>
        %dma_start3A_59 = arith.constant 0 : i32
        %dma_start3A_60 = tpu.memref_slice %arg5[%add3A_28, %dma_start3A_59] : memref<320000x16xf32, #tpu.memory_space<hbm>> -> memref<80x16xf32, #tpu.memory_space<hbm>>
        tpu.enqueue_dma source(%dma_start3A_60 : memref<80x16xf32, #tpu.memory_space<hbm>>) target(%arg18 : memref<80x16xf32, #tpu.memory_space<vmem>>) target_semaphore(%run_scoped3A : memref<!tpu.dma_semaphore, #tpu.memory_space<semaphore_mem>>)
        %dma_wait3A_61 = arith.constant 0 : i32
        %dma_wait3A_62 = tpu.memref_slice %arg5[%add3A_28, %dma_wait3A_61] : memref<320000x16xf32, #tpu.memory_space<hbm>> -> memref<80x16xf32, #tpu.memory_space<hbm>>
        %dma_wait3A_63 = arith.constant 0 : i32
        %dma_wait3A_64 = tpu.memref_slice %arg5[%add3A_28, %dma_wait3A_63] : memref<320000x16xf32, #tpu.memory_space<hbm>> -> memref<80x16xf32, #tpu.memory_space<hbm>>
        tpu.wait_dma2 semaphore(%run_scoped3A : memref<!tpu.dma_semaphore, #tpu.memory_space<semaphore_mem>>) src(%dma_wait3A_64 : memref<80x16xf32, #tpu.memory_space<hbm>>) dst(%arg18 : memref<80x16xf32, #tpu.memory_space<vmem>>)
        tpu.yield
      }) : () -> ()
      %dma_wait3A = arith.constant 0 : i32
      %dma_wait3A_37 = arith.constant 0 : i32
      %dma_wait3A_38 = tpu.memref_slice %arg3[%dma_wait3A, %dma_wait3A_37] : memref<10000x16xf32, #tpu.memory_space<hbm>> -> memref<10000x16xf32, #tpu.memory_space<hbm>>
      tpu.wait_indirect_dma semaphore(%arg22 : memref<!tpu.dma_semaphore, #tpu.memory_space<semaphore_mem>>) src(%dma_wait3A_38 : memref<10000x16xf32, #tpu.memory_space<hbm>>) dst(%arg16 : memref<80x16xf32, #tpu.memory_space<vmem>>)
      %dma_wait3A_39 = arith.constant 0 : i32
      %dma_wait3A_40 = arith.constant 0 : i32
      %dma_wait3A_41 = tpu.memref_slice %arg4[%dma_wait3A_39, %dma_wait3A_40] : memref<10000x16xf32, #tpu.memory_space<hbm>> -> memref<10000x16xf32, #tpu.memory_space<hbm>>
      tpu.wait_indirect_dma semaphore(%arg23 : memref<!tpu.dma_semaphore, #tpu.memory_space<semaphore_mem>>) src(%dma_wait3A_41 : memref<10000x16xf32, #tpu.memory_space<hbm>>) dst(%arg17 : memref<80x16xf32, #tpu.memory_space<vmem>>)
      %scan3A_42 = arith.constant 0 : i32
      %scan3A_43 = arith.constant 0 : i32
      %scan3A_44 = arith.constant 80 : i32
      %scan3A_45 = arith.addi %scan3A_43, %scan3A_44 : i32
      %scan3A_46 = arith.constant 1 : i32
      scf.for %scan3A_57 = %scan3A_43 to %scan3A_45 step %scan3A_46  : i32 {
        %get3A = arith.index_cast %scan3A_57 : i32 to index
        %get3A_58 = arith.constant 0 : index
        %get3A_59 = tpu.vector_load %arg16[%get3A, %get3A_58] {strides = array<i32>} : memref<80x16xf32, #tpu.memory_space<vmem>>, vector<1x16xf32>,
        %get3A_60 = vector.shape_cast %get3A_59 : vector<1x16xf32> to vector<16xf32>
        %get3A_61 = arith.index_cast %scan3A_57 : i32 to index
        %get3A_62 = arith.constant 0 : index
        %get3A_63 = tpu.vector_load %arg17[%get3A_61, %get3A_62] {strides = array<i32>} : memref<80x16xf32, #tpu.memory_space<vmem>>, vector<1x16xf32>,
        %get3A_64 = vector.shape_cast %get3A_63 : vector<1x16xf32> to vector<16xf32>
        %add3A_65 = arith.addf %get3A_60, %get3A_64 : vector<16xf32>
        %get3A_66 = arith.index_cast %scan3A_57 : i32 to index
        %get3A_67 = arith.constant 0 : index
        %get3A_68 = tpu.vector_load %arg18[%get3A_66, %get3A_67] {strides = array<i32>} : memref<80x16xf32, #tpu.memory_space<vmem>>, vector<1x16xf32>,
        %get3A_69 = vector.shape_cast %get3A_68 : vector<1x16xf32> to vector<16xf32>
        %add3A_70 = arith.addf %add3A_65, %get3A_69 : vector<16xf32>
        %ge3A = arith.constant 0.000000e+00 : f32
        %ge3A_71 = vector.broadcast %ge3A : f32 to vector<16xf32>
        %ge3A_72 = arith.cmpf oge, %add3A_70, %ge3A_71 : vector<16xf32>
        %mul3A_73 = arith.constant 2.000000e-01 : f32
        %mul3A_74 = vector.broadcast %mul3A_73 : f32 to vector<16xf32>
        %mul3A_75 = arith.mulf %add3A_70, %mul3A_74 : vector<16xf32>
        %select_n3A = arith.select %ge3A_72, %add3A_70, %mul3A_75 : vector<16xi1>, vector<16xf32>
        %exp3A = math.exp %select_n3A : vector<16xf32>
        %swap3A = arith.index_cast %scan3A_57 : i32 to index
        %swap3A_76 = arith.constant 0 : index
        %swap3A_77 = tpu.vector_load %arg19[%swap3A, %swap3A_76] {strides = array<i32>} : memref<80x16xf32, #tpu.memory_space<vmem>>, vector<1x16xf32>,
        %swap3A_78 = vector.shape_cast %swap3A_77 : vector<1x16xf32> to vector<16xf32>
        %swap3A_79 = vector.shape_cast %exp3A : vector<16xf32> to vector<1x16xf32>
        tpu.vector_store %arg19[%swap3A, %swap3A_76], %swap3A_79 {strides = array<i32>} : memref<80x16xf32, #tpu.memory_space<vmem>>, vector<1x16xf32>,
      }
      %scan3A_47 = arith.constant 80 : i32
      "tpu.region"() ({
        %run_scoped3A = tpu.sem_alloc : memref<!tpu.dma_semaphore, #tpu.memory_space<semaphore_mem>>
        %dma_start3A_57 = arith.constant 0 : i32
        %dma_start3A_58 = arith.constant 0 : i32
        %dma_start3A_59 = tpu.memref_slice %arg13[%dma_start3A_57, %dma_start3A_58] : memref<10112x16xf32, #tpu.memory_space<vmem_shared>> -> memref<10112x16xf32, #tpu.memory_space<vmem_shared>>
        tpu.enqueue_indirect_dma source(%arg19 : memref<80x16xf32, #tpu.memory_space<vmem>>) target(%dma_start3A_59 : memref<10112x16xf32, #tpu.memory_space<vmem_shared>>) offsets(%arg15 : memref<80xi32, #tpu.memory_space<vmem>>) semaphore(%run_scoped3A : memref<!tpu.dma_semaphore, #tpu.memory_space<semaphore_mem>>) {add = true}
        %dma_wait3A_60 = arith.constant 0 : i32
        %dma_wait3A_61 = arith.constant 0 : i32
        %dma_wait3A_62 = tpu.memref_slice %arg13[%dma_wait3A_60, %dma_wait3A_61] : memref<10112x16xf32, #tpu.memory_space<vmem_shared>> -> memref<10112x16xf32, #tpu.memory_space<vmem_shared>>
        tpu.wait_indirect_dma semaphore(%run_scoped3A : memref<!tpu.dma_semaphore, #tpu.memory_space<semaphore_mem>>) src(%arg19 : memref<80x16xf32, #tpu.memory_space<vmem>>) dst(%dma_wait3A_62 : memref<10112x16xf32, #tpu.memory_space<vmem_shared>>)
        tpu.yield
      }) : () -> ()
      %dma_wait3A_48 = arith.constant 0 : i32
      %dma_wait3A_49 = arith.constant 0 : i32
      %dma_wait3A_50 = tpu.memref_slice %arg2[%dma_wait3A_48, %dma_wait3A_49] : memref<10000x128xf32, #tpu.memory_space<hbm>> -> memref<10000x128xf32, #tpu.memory_space<hbm>>
      tpu.wait_indirect_dma semaphore(%arg21 : memref<!tpu.dma_semaphore, #tpu.memory_space<semaphore_mem>>) src(%dma_wait3A_50 : memref<10000x128xf32, #tpu.memory_space<hbm>>) dst(%arg20 : memref<80x128xf32, #tpu.memory_space<vmem>>)
      %scan3A_51 = arith.constant 0 : i32
      %scan3A_52 = arith.constant 0 : i32
      %scan3A_53 = arith.constant 80 : i32
      %scan3A_54 = arith.addi %scan3A_52, %scan3A_53 : i32
      %scan3A_55 = arith.constant 1 : i32
      scf.for %scan3A_57 = %scan3A_52 to %scan3A_54 step %scan3A_55  : i32 {
        %get3A = arith.index_cast %scan3A_57 : i32 to index
        %get3A_58 = arith.constant 0 : index
        %get3A_59 = tpu.vector_load %arg19[%get3A, %get3A_58] {strides = array<i32>} : memref<80x16xf32, #tpu.memory_space<vmem>>, vector<1x16xf32>,
        %get3A_60 = vector.shape_cast %get3A_59 : vector<1x16xf32> to vector<16xf32>
        %broadcast_in_dim3A = arith.constant 0 : i32
        %broadcast_in_dim3A_61 = vector.broadcast %broadcast_in_dim3A : i32 to vector<16x1xi32>
        %gather3A = vector.shape_cast %broadcast_in_dim3A_61 : vector<16x1xi32> to vector<16xi32>
        %gather3A_62 = tpu.dynamic_gather %get3A_60[%gather3A] in [0] : vector<16xf32>, vector<16xi32> -> vector<16xf32>
        %get3A_63 = arith.index_cast %scan3A_57 : i32 to index
        %get3A_64 = arith.constant 0 : index
        %get3A_65 = tpu.vector_load %arg20[%get3A_63, %get3A_64] {strides = array<i32>} : memref<80x128xf32, #tpu.memory_space<vmem>>, vector<1x16xf32>,
        %get3A_66 = vector.shape_cast %get3A_65 : vector<1x16xf32> to vector<16xf32>
        %mul3A_67 = arith.mulf %get3A_66, %gather3A_62 : vector<16xf32>
        %swap3A = arith.index_cast %scan3A_57 : i32 to index
        %swap3A_68 = arith.constant 0 : index
        %swap3A_69 = tpu.vector_load %arg20[%swap3A, %swap3A_68] {strides = array<i32>} : memref<80x128xf32, #tpu.memory_space<vmem>>, vector<1x16xf32>,
        %swap3A_70 = vector.shape_cast %swap3A_69 : vector<1x16xf32> to vector<16xf32>
        %swap3A_71 = vector.shape_cast %mul3A_67 : vector<16xf32> to vector<1x16xf32>
        tpu.vector_store %arg20[%swap3A, %swap3A_68], %swap3A_71 {strides = array<i32>} : memref<80x128xf32, #tpu.memory_space<vmem>>, vector<1x16xf32>,
        %get3A_72 = arith.index_cast %scan3A_57 : i32 to index
        %get3A_73 = arith.constant 16 : index
        %get3A_74 = tpu.vector_load %arg20[%get3A_72, %get3A_73] {strides = array<i32>} : memref<80x128xf32, #tpu.memory_space<vmem>>, vector<1x16xf32>,
        %get3A_75 = vector.shape_cast %get3A_74 : vector<1x16xf32> to vector<16xf32>
        %mul3A_76 = arith.mulf %get3A_75, %gather3A_62 : vector<16xf32>
        %swap3A_77 = arith.index_cast %scan3A_57 : i32 to index
        %swap3A_78 = arith.constant 16 : index
        %swap3A_79 = tpu.vector_load %arg20[%swap3A_77, %swap3A_78] {strides = array<i32>} : memref<80x128xf32, #tpu.memory_space<vmem>>, vector<1x16xf32>,
        %swap3A_80 = vector.shape_cast %swap3A_79 : vector<1x16xf32> to vector<16xf32>
        %swap3A_81 = vector.shape_cast %mul3A_76 : vector<16xf32> to vector<1x16xf32>
        tpu.vector_store %arg20[%swap3A_77, %swap3A_78], %swap3A_81 {strides = array<i32>} : memref<80x128xf32, #tpu.memory_space<vmem>>, vector<1x16xf32>,
        %broadcast_in_dim3A_82 = arith.constant 1 : i32
        %broadcast_in_dim3A_83 = vector.broadcast %broadcast_in_dim3A_82 : i32 to vector<16x1xi32>
        %gather3A_84 = vector.shape_cast %broadcast_in_dim3A_83 : vector<16x1xi32> to vector<16xi32>
        %gather3A_85 = tpu.dynamic_gather %get3A_60[%gather3A_84] in [0] : vector<16xf32>, vector<16xi32> -> vector<16xf32>
        %get3A_86 = arith.index_cast %scan3A_57 : i32 to index
        %get3A_87 = arith.constant 32 : index
        %get3A_88 = tpu.vector_load %arg20[%get3A_86, %get3A_87] {strides = array<i32>} : memref<80x128xf32, #tpu.memory_space<vmem>>, vector<1x16xf32>,
        %get3A_89 = vector.shape_cast %get3A_88 : vector<1x16xf32> to vector<16xf32>
        %mul3A_90 = arith.mulf %get3A_89, %gather3A_85 : vector<16xf32>
        %swap3A_91 = arith.index_cast %scan3A_57 : i32 to index
        %swap3A_92 = arith.constant 32 : index
        %swap3A_93 = tpu.vector_load %arg20[%swap3A_91, %swap3A_92] {strides = array<i32>} : memref<80x128xf32, #tpu.memory_space<vmem>>, vector<1x16xf32>,
        %swap3A_94 = vector.shape_cast %swap3A_93 : vector<1x16xf32> to vector<16xf32>
        %swap3A_95 = vector.shape_cast %mul3A_90 : vector<16xf32> to vector<1x16xf32>
        tpu.vector_store %arg20[%swap3A_91, %swap3A_92], %swap3A_95 {strides = array<i32>} : memref<80x128xf32, #tpu.memory_space<vmem>>, vector<1x16xf32>,
        %get3A_96 = arith.index_cast %scan3A_57 : i32 to index
        %get3A_97 = arith.constant 48 : index
        %get3A_98 = tpu.vector_load %arg20[%get3A_96, %get3A_97] {strides = array<i32>} : memref<80x128xf32, #tpu.memory_space<vmem>>, vector<1x16xf32>,
        %get3A_99 = vector.shape_cast %get3A_98 : vector<1x16xf32> to vector<16xf32>
        %mul3A_100 = arith.mulf %get3A_99, %gather3A_85 : vector<16xf32>
        %swap3A_101 = arith.index_cast %scan3A_57 : i32 to index
        %swap3A_102 = arith.constant 48 : index
        %swap3A_103 = tpu.vector_load %arg20[%swap3A_101, %swap3A_102] {strides = array<i32>} : memref<80x128xf32, #tpu.memory_space<vmem>>, vector<1x16xf32>,
        %swap3A_104 = vector.shape_cast %swap3A_103 : vector<1x16xf32> to vector<16xf32>
        %swap3A_105 = vector.shape_cast %mul3A_100 : vector<16xf32> to vector<1x16xf32>
        tpu.vector_store %arg20[%swap3A_101, %swap3A_102], %swap3A_105 {strides = array<i32>} : memref<80x128xf32, #tpu.memory_space<vmem>>, vector<1x16xf32>,
        %broadcast_in_dim3A_106 = arith.constant 2 : i32
        %broadcast_in_dim3A_107 = vector.broadcast %broadcast_in_dim3A_106 : i32 to vector<16x1xi32>
        %gather3A_108 = vector.shape_cast %broadcast_in_dim3A_107 : vector<16x1xi32> to vector<16xi32>
        %gather3A_109 = tpu.dynamic_gather %get3A_60[%gather3A_108] in [0] : vector<16xf32>, vector<16xi32> -> vector<16xf32>
        %get3A_110 = arith.index_cast %scan3A_57 : i32 to index
        %get3A_111 = arith.constant 64 : index
        %get3A_112 = tpu.vector_load %arg20[%get3A_110, %get3A_111] {strides = array<i32>} : memref<80x128xf32, #tpu.memory_space<vmem>>, vector<1x16xf32>,
        %get3A_113 = vector.shape_cast %get3A_112 : vector<1x16xf32> to vector<16xf32>
        %mul3A_114 = arith.mulf %get3A_113, %gather3A_109 : vector<16xf32>
        %swap3A_115 = arith.index_cast %scan3A_57 : i32 to index
        %swap3A_116 = arith.constant 64 : index
        %swap3A_117 = tpu.vector_load %arg20[%swap3A_115, %swap3A_116] {strides = array<i32>} : memref<80x128xf32, #tpu.memory_space<vmem>>, vector<1x16xf32>,
        %swap3A_118 = vector.shape_cast %swap3A_117 : vector<1x16xf32> to vector<16xf32>
        %swap3A_119 = vector.shape_cast %mul3A_114 : vector<16xf32> to vector<1x16xf32>
        tpu.vector_store %arg20[%swap3A_115, %swap3A_116], %swap3A_119 {strides = array<i32>} : memref<80x128xf32, #tpu.memory_space<vmem>>, vector<1x16xf32>,
        %get3A_120 = arith.index_cast %scan3A_57 : i32 to index
        %get3A_121 = arith.constant 80 : index
        %get3A_122 = tpu.vector_load %arg20[%get3A_120, %get3A_121] {strides = array<i32>} : memref<80x128xf32, #tpu.memory_space<vmem>>, vector<1x16xf32>,
        %get3A_123 = vector.shape_cast %get3A_122 : vector<1x16xf32> to vector<16xf32>
        %mul3A_124 = arith.mulf %get3A_123, %gather3A_109 : vector<16xf32>
        %swap3A_125 = arith.index_cast %scan3A_57 : i32 to index
        %swap3A_126 = arith.constant 80 : index
        %swap3A_127 = tpu.vector_load %arg20[%swap3A_125, %swap3A_126] {strides = array<i32>} : memref<80x128xf32, #tpu.memory_space<vmem>>, vector<1x16xf32>,
        %swap3A_128 = vector.shape_cast %swap3A_127 : vector<1x16xf32> to vector<16xf32>
        %swap3A_129 = vector.shape_cast %mul3A_124 : vector<16xf32> to vector<1x16xf32>
        tpu.vector_store %arg20[%swap3A_125, %swap3A_126], %swap3A_129 {strides = array<i32>} : memref<80x128xf32, #tpu.memory_space<vmem>>, vector<1x16xf32>,
        %broadcast_in_dim3A_130 = arith.constant 3 : i32
        %broadcast_in_dim3A_131 = vector.broadcast %broadcast_in_dim3A_130 : i32 to vector<16x1xi32>
        %gather3A_132 = vector.shape_cast %broadcast_in_dim3A_131 : vector<16x1xi32> to vector<16xi32>
        %gather3A_133 = tpu.dynamic_gather %get3A_60[%gather3A_132] in [0] : vector<16xf32>, vector<16xi32> -> vector<16xf32>
        %get3A_134 = arith.index_cast %scan3A_57 : i32 to index
        %get3A_135 = arith.constant 96 : index
        %get3A_136 = tpu.vector_load %arg20[%get3A_134, %get3A_135] {strides = array<i32>} : memref<80x128xf32, #tpu.memory_space<vmem>>, vector<1x16xf32>,
        %get3A_137 = vector.shape_cast %get3A_136 : vector<1x16xf32> to vector<16xf32>
        %mul3A_138 = arith.mulf %get3A_137, %gather3A_133 : vector<16xf32>
        %swap3A_139 = arith.index_cast %scan3A_57 : i32 to index
        %swap3A_140 = arith.constant 96 : index
        %swap3A_141 = tpu.vector_load %arg20[%swap3A_139, %swap3A_140] {strides = array<i32>} : memref<80x128xf32, #tpu.memory_space<vmem>>, vector<1x16xf32>,
        %swap3A_142 = vector.shape_cast %swap3A_141 : vector<1x16xf32> to vector<16xf32>
        %swap3A_143 = vector.shape_cast %mul3A_138 : vector<16xf32> to vector<1x16xf32>
        tpu.vector_store %arg20[%swap3A_139, %swap3A_140], %swap3A_143 {strides = array<i32>} : memref<80x128xf32, #tpu.memory_space<vmem>>, vector<1x16xf32>,
        %get3A_144 = arith.index_cast %scan3A_57 : i32 to index
        %get3A_145 = arith.constant 112 : index
        %get3A_146 = tpu.vector_load %arg20[%get3A_144, %get3A_145] {strides = array<i32>} : memref<80x128xf32, #tpu.memory_space<vmem>>, vector<1x16xf32>,
        %get3A_147 = vector.shape_cast %get3A_146 : vector<1x16xf32> to vector<16xf32>
        %mul3A_148 = arith.mulf %get3A_147, %gather3A_133 : vector<16xf32>
        %swap3A_149 = arith.index_cast %scan3A_57 : i32 to index
        %swap3A_150 = arith.constant 112 : index
        %swap3A_151 = tpu.vector_load %arg20[%swap3A_149, %swap3A_150] {strides = array<i32>} : memref<80x128xf32, #tpu.memory_space<vmem>>, vector<1x16xf32>,
        %swap3A_152 = vector.shape_cast %swap3A_151 : vector<1x16xf32> to vector<16xf32>
        %swap3A_153 = vector.shape_cast %mul3A_148 : vector<16xf32> to vector<1x16xf32>
        tpu.vector_store %arg20[%swap3A_149, %swap3A_150], %swap3A_153 {strides = array<i32>} : memref<80x128xf32, #tpu.memory_space<vmem>>, vector<1x16xf32>,
      }
      %scan3A_56 = arith.constant 80 : i32
      "tpu.region"() ({
        %run_scoped3A = tpu.sem_alloc : memref<!tpu.dma_semaphore, #tpu.memory_space<semaphore_mem>>
        %dma_start3A_57 = arith.constant 0 : i32
        %dma_start3A_58 = arith.constant 0 : i32
        %dma_start3A_59 = tpu.memref_slice %arg12[%dma_start3A_57, %dma_start3A_58] : memref<10112x128xf32, #tpu.memory_space<vmem_shared>> -> memref<10112x128xf32, #tpu.memory_space<vmem_shared>>
        tpu.enqueue_indirect_dma source(%arg20 : memref<80x128xf32, #tpu.memory_space<vmem>>) target(%dma_start3A_59 : memref<10112x128xf32, #tpu.memory_space<vmem_shared>>) offsets(%arg15 : memref<80xi32, #tpu.memory_space<vmem>>) semaphore(%run_scoped3A : memref<!tpu.dma_semaphore, #tpu.memory_space<semaphore_mem>>) {add = true}
        %dma_wait3A_60 = arith.constant 0 : i32
        %dma_wait3A_61 = arith.constant 0 : i32
        %dma_wait3A_62 = tpu.memref_slice %arg12[%dma_wait3A_60, %dma_wait3A_61] : memref<10112x128xf32, #tpu.memory_space<vmem_shared>> -> memref<10112x128xf32, #tpu.memory_space<vmem_shared>>
        tpu.wait_indirect_dma semaphore(%run_scoped3A : memref<!tpu.dma_semaphore, #tpu.memory_space<semaphore_mem>>) src(%arg20 : memref<80x128xf32, #tpu.memory_space<vmem>>) dst(%dma_wait3A_62 : memref<10112x128xf32, #tpu.memory_space<vmem_shared>>)
        tpu.yield
      }) : () -> ()
    }
    %scan3A_15 = arith.constant 125 : i32
    %barrier3A_16 = arith.constant 0 : index
    tpu.barrier barrier_id(%barrier3A_16)
    %mul3A_17 = arith.constant 632 : i32
    %mul3A_18 = arith.muli %arg1, %mul3A_17 : i32
    %mul3A_19 = arith.constant 632 : i32
    %mul3A_20 = arith.muli %arg1, %mul3A_19 : i32
    "tpu.region"() ({
      %run_scoped3A = tpu.sem_alloc : memref<!tpu.dma_semaphore, #tpu.memory_space<semaphore_mem>>
      %dma_start3A = arith.constant 0 : i32
      %dma_start3A_25 = tpu.memref_slice %arg10[%arg0, %mul3A_20, %dma_start3A] : memref<2x10112x128xf32, #tpu.memory_space<hbm>> -> memref<1x632x128xf32, #tpu.memory_space<hbm>>
      %dma_start3A_26 = tpu.memref_squeeze %dma_start3A_25 : memref<1x632x128xf32, #tpu.memory_space<hbm>> -> memref<632x128xf32, #tpu.memory_space<hbm>>
      %dma_start3A_27 = arith.constant 0 : i32
      %dma_start3A_28 = tpu.memref_slice %arg12[%mul3A_18, %dma_start3A_27] : memref<10112x128xf32, #tpu.memory_space<vmem_shared>> -> memref<632x128xf32, #tpu.memory_space<vmem_shared>>
      tpu.enqueue_dma source(%dma_start3A_28 : memref<632x128xf32, #tpu.memory_space<vmem_shared>>) target(%dma_start3A_26 : memref<632x128xf32, #tpu.memory_space<hbm>>) target_semaphore(%run_scoped3A : memref<!tpu.dma_semaphore, #tpu.memory_space<semaphore_mem>>)
      %dma_wait3A = arith.constant 0 : i32
      %dma_wait3A_29 = tpu.memref_slice %arg10[%arg0, %mul3A_20, %dma_wait3A] : memref<2x10112x128xf32, #tpu.memory_space<hbm>> -> memref<1x632x128xf32, #tpu.memory_space<hbm>>
      %dma_wait3A_30 = tpu.memref_squeeze %dma_wait3A_29 : memref<1x632x128xf32, #tpu.memory_space<hbm>> -> memref<632x128xf32, #tpu.memory_space<hbm>>
      %dma_wait3A_31 = arith.constant 0 : i32
      %dma_wait3A_32 = tpu.memref_slice %arg12[%mul3A_18, %dma_wait3A_31] : memref<10112x128xf32, #tpu.memory_space<vmem_shared>> -> memref<632x128xf32, #tpu.memory_space<vmem_shared>>
      tpu.wait_dma2 semaphore(%run_scoped3A : memref<!tpu.dma_semaphore, #tpu.memory_space<semaphore_mem>>) src(%dma_wait3A_32 : memref<632x128xf32, #tpu.memory_space<vmem_shared>>) dst(%dma_wait3A_30 : memref<632x128xf32, #tpu.memory_space<hbm>>)
      tpu.yield
    }) : () -> ()
    %mul3A_21 = arith.constant 632 : i32
    %mul3A_22 = arith.muli %arg1, %mul3A_21 : i32
    %mul3A_23 = arith.constant 632 : i32
    %mul3A_24 = arith.muli %arg1, %mul3A_23 : i32
    "tpu.region"() ({
      %run_scoped3A = tpu.sem_alloc : memref<!tpu.dma_semaphore, #tpu.memory_space<semaphore_mem>>
      %dma_start3A = arith.constant 0 : i32
      %dma_start3A_25 = tpu.memref_slice %arg11[%arg0, %mul3A_24, %dma_start3A] : memref<2x10112x16xf32, #tpu.memory_space<hbm>> -> memref<1x632x16xf32, #tpu.memory_space<hbm>>
      %dma_start3A_26 = tpu.memref_squeeze %dma_start3A_25 : memref<1x632x16xf32, #tpu.memory_space<hbm>> -> memref<632x16xf32, #tpu.memory_space<hbm>>
      %dma_start3A_27 = arith.constant 0 : i32
      %dma_start3A_28 = tpu.memref_slice %arg13[%mul3A_22, %dma_start3A_27] : memref<10112x16xf32, #tpu.memory_space<vmem_shared>> -> memref<632x16xf32, #tpu.memory_space<vmem_shared>>
      tpu.enqueue_dma source(%dma_start3A_28 : memref<632x16xf32, #tpu.memory_space<vmem_shared>>) target(%dma_start3A_26 : memref<632x16xf32, #tpu.memory_space<hbm>>) target_semaphore(%run_scoped3A : memref<!tpu.dma_semaphore, #tpu.memory_space<semaphore_mem>>)
      %dma_wait3A = arith.constant 0 : i32
      %dma_wait3A_29 = tpu.memref_slice %arg11[%arg0, %mul3A_24, %dma_wait3A] : memref<2x10112x16xf32, #tpu.memory_space<hbm>> -> memref<1x632x16xf32, #tpu.memory_space<hbm>>
      %dma_wait3A_30 = tpu.memref_squeeze %dma_wait3A_29 : memref<1x632x16xf32, #tpu.memory_space<hbm>> -> memref<632x16xf32, #tpu.memory_space<hbm>>
      %dma_wait3A_31 = arith.constant 0 : i32
      %dma_wait3A_32 = tpu.memref_slice %arg13[%mul3A_22, %dma_wait3A_31] : memref<10112x16xf32, #tpu.memory_space<vmem_shared>> -> memref<632x16xf32, #tpu.memory_space<vmem_shared>>
      tpu.wait_dma2 semaphore(%run_scoped3A : memref<!tpu.dma_semaphore, #tpu.memory_space<semaphore_mem>>) src(%dma_wait3A_32 : memref<632x16xf32, #tpu.memory_space<vmem_shared>>) dst(%dma_wait3A_30 : memref<632x16xf32, #tpu.memory_space<hbm>>)
      tpu.yield
    }) : () -> ()
    return
  }
}

module attributes {stable_mosaic.version = 14 : i64} {
  func.func @_proj_body(%arg0: i32, %arg1: memref<1000x128xf32, #tpu.memory_space<vmem>>, %arg2: memref<1000x320xf32, #tpu.memory_space<vmem>>, %arg3: memref<128x128xf32, #tpu.memory_space<vmem>>, %arg4: memref<128x16xf32, #tpu.memory_space<vmem>>, %arg5: memref<128x16xf32, #tpu.memory_space<vmem>>, %arg6: memref<320x512xf32, #tpu.memory_space<vmem>>, %arg7: memref<1000x128xf32, #tpu.memory_space<vmem>>, %arg8: memref<1000x16xf32, #tpu.memory_space<vmem>>, %arg9: memref<1000x16xf32, #tpu.memory_space<vmem>>, %arg10: memref<1000x512xf32, #tpu.memory_space<vmem>>) attributes {dimension_semantics = [#tpu.dimension_semantics<arbitrary>], iteration_bounds = array<i64: 10>, scalar_prefetch = 0 : i64, scratch_operands = 0 : i64, tpu.core_type = #tpu.core_type<tc>, window_params = [{transform_indices = @transform_0, window_bounds = array<i64: 1000, 128>}, {transform_indices = @transform_1, window_bounds = array<i64: 1000, 320>}, {pipeline_mode = #tpu.pipeline_mode<synchronous>, transform_indices = @transform_2, window_bounds = array<i64: 128, 128>}, {pipeline_mode = #tpu.pipeline_mode<synchronous>, transform_indices = @transform_3, window_bounds = array<i64: 128, 16>}, {pipeline_mode = #tpu.pipeline_mode<synchronous>, transform_indices = @transform_4, window_bounds = array<i64: 128, 16>}, {pipeline_mode = #tpu.pipeline_mode<synchronous>, transform_indices = @transform_5, window_bounds = array<i64: 320, 512>}, {transform_indices = @transform_6, window_bounds = array<i64: 1000, 128>}, {transform_indices = @transform_7, window_bounds = array<i64: 1000, 16>}, {transform_indices = @transform_8, window_bounds = array<i64: 1000, 16>}, {transform_indices = @transform_9, window_bounds = array<i64: 1000, 512>}]} {
    %get3A = arith.constant 0 : index
    %get3A_0 = arith.constant 0 : index
    %get3A_1 = vector.load %arg1[%get3A, %get3A_0] : memref<1000x128xf32, #tpu.memory_space<vmem>>, vector<1000x128xf32>
    %get3A_2 = arith.constant 0 : index
    %get3A_3 = arith.constant 0 : index
    %get3A_4 = vector.load %arg3[%get3A_2, %get3A_3] : memref<128x128xf32, #tpu.memory_space<vmem>>, vector<128x128xf32>
    %dot_general3A = arith.constant dense<0.000000e+00> : vector<1000x128xf32>
    %dot_general3A_5 = tpu.matmul %get3A_1, %get3A_4, %dot_general3A {dimension_numbers = #tpu.dot_dimension_numbers<[1], [0], [0], [1], [0, 0, 1, 1], [], []>, transpose_lhs_hint = false} : vector<1000x128xf32>, vector<128x128xf32>, vector<1000x128xf32> -> vector<1000x128xf32>
    %swap3A = arith.constant 0 : index
    %swap3A_6 = arith.constant 0 : index
    %swap3A_7 = vector.load %arg7[%swap3A, %swap3A_6] : memref<1000x128xf32, #tpu.memory_space<vmem>>, vector<1000x128xf32>
    tpu.vector_store %arg7[%swap3A, %swap3A_6], %dot_general3A_5 {strides = array<i32>} : memref<1000x128xf32, #tpu.memory_space<vmem>>, vector<1000x128xf32>,
    %get3A_8 = arith.constant 0 : index
    %get3A_9 = arith.constant 0 : index
    %get3A_10 = vector.load %arg4[%get3A_8, %get3A_9] : memref<128x16xf32, #tpu.memory_space<vmem>>, vector<128x16xf32>
    %dot_general3A_11 = arith.constant dense<0.000000e+00> : vector<1000x16xf32>
    %dot_general3A_12 = tpu.matmul %get3A_1, %get3A_10, %dot_general3A_11 {dimension_numbers = #tpu.dot_dimension_numbers<[1], [0], [0], [1], [0, 0, 1, 1], [], []>, transpose_lhs_hint = false} : vector<1000x128xf32>, vector<128x16xf32>, vector<1000x16xf32> -> vector<1000x16xf32>
    %swap3A_13 = arith.constant 0 : index
    %swap3A_14 = arith.constant 0 : index
    %swap3A_15 = vector.load %arg8[%swap3A_13, %swap3A_14] : memref<1000x16xf32, #tpu.memory_space<vmem>>, vector<1000x16xf32>
    tpu.vector_store %arg8[%swap3A_13, %swap3A_14], %dot_general3A_12 {strides = array<i32>} : memref<1000x16xf32, #tpu.memory_space<vmem>>, vector<1000x16xf32>,
    %get3A_16 = arith.constant 0 : index
    %get3A_17 = arith.constant 0 : index
    %get3A_18 = vector.load %arg5[%get3A_16, %get3A_17] : memref<128x16xf32, #tpu.memory_space<vmem>>, vector<128x16xf32>
    %dot_general3A_19 = arith.constant dense<0.000000e+00> : vector<1000x16xf32>
    %dot_general3A_20 = tpu.matmul %get3A_1, %get3A_18, %dot_general3A_19 {dimension_numbers = #tpu.dot_dimension_numbers<[1], [0], [0], [1], [0, 0, 1, 1], [], []>, transpose_lhs_hint = false} : vector<1000x128xf32>, vector<128x16xf32>, vector<1000x16xf32> -> vector<1000x16xf32>
    %swap3A_21 = arith.constant 0 : index
    %swap3A_22 = arith.constant 0 : index
    %swap3A_23 = vector.load %arg9[%swap3A_21, %swap3A_22] : memref<1000x16xf32, #tpu.memory_space<vmem>>, vector<1000x16xf32>
    tpu.vector_store %arg9[%swap3A_21, %swap3A_22], %dot_general3A_20 {strides = array<i32>} : memref<1000x16xf32, #tpu.memory_space<vmem>>, vector<1000x16xf32>,
    %get3A_24 = arith.constant 0 : index
    %get3A_25 = arith.constant 0 : index
    %get3A_26 = vector.load %arg2[%get3A_24, %get3A_25] : memref<1000x320xf32, #tpu.memory_space<vmem>>, vector<1000x320xf32>
    %get3A_27 = arith.constant 0 : index
    %get3A_28 = arith.constant 0 : index
    %get3A_29 = vector.load %arg6[%get3A_27, %get3A_28] : memref<320x512xf32, #tpu.memory_space<vmem>>, vector<320x512xf32>
    %dot_general3A_30 = arith.constant dense<0.000000e+00> : vector<1000x512xf32>
    %dot_general3A_31 = tpu.matmul %get3A_26, %get3A_29, %dot_general3A_30 {dimension_numbers = #tpu.dot_dimension_numbers<[1], [0], [0], [1], [0, 0, 1, 1], [], []>, transpose_lhs_hint = false} : vector<1000x320xf32>, vector<320x512xf32>, vector<1000x512xf32> -> vector<1000x512xf32>
    %swap3A_32 = arith.constant 0 : index
    %swap3A_33 = arith.constant 0 : index
    %swap3A_34 = vector.load %arg10[%swap3A_32, %swap3A_33] : memref<1000x512xf32, #tpu.memory_space<vmem>>, vector<1000x512xf32>
    tpu.vector_store %arg10[%swap3A_32, %swap3A_33], %dot_general3A_31 {strides = array<i32>} : memref<1000x512xf32, #tpu.memory_space<vmem>>, vector<1000x512xf32>,
    return
  }
  func.func @transform_0(%arg0: i32) -> (i32, i32) {
    %c0_i32 = arith.constant 0 : i32
    %c0_i32_0 = arith.constant 0 : i32
    return %arg0, %c0_i32 : i32, i32
  }
  func.func @transform_1(%arg0: i32) -> (i32, i32) {
    %c0_i32 = arith.constant 0 : i32
    %c0_i32_0 = arith.constant 0 : i32
    return %arg0, %c0_i32 : i32, i32
  }
  func.func @transform_2(%arg0: i32) -> (i32, i32) {
    %c0_i32 = arith.constant 0 : i32
    %c0_i32_0 = arith.constant 0 : i32
    %c0_i32_1 = arith.constant 0 : i32
    return %c0_i32, %c0_i32_0 : i32, i32
  }
  func.func @transform_3(%arg0: i32) -> (i32, i32) {
    %c0_i32 = arith.constant 0 : i32
    %c0_i32_0 = arith.constant 0 : i32
    %c0_i32_1 = arith.constant 0 : i32
    return %c0_i32, %c0_i32_0 : i32, i32
  }
  func.func @transform_4(%arg0: i32) -> (i32, i32) {
    %c0_i32 = arith.constant 0 : i32
    %c0_i32_0 = arith.constant 0 : i32
    %c0_i32_1 = arith.constant 0 : i32
    return %c0_i32, %c0_i32_0 : i32, i32
  }
  func.func @transform_5(%arg0: i32) -> (i32, i32) {
    %c0_i32 = arith.constant 0 : i32
    %c0_i32_0 = arith.constant 0 : i32
    %c0_i32_1 = arith.constant 0 : i32
    return %c0_i32, %c0_i32_0 : i32, i32
  }
  func.func @transform_6(%arg0: i32) -> (i32, i32) {
    %c0_i32 = arith.constant 0 : i32
    %c0_i32_0 = arith.constant 0 : i32
    return %arg0, %c0_i32 : i32, i32
  }
  func.func @transform_7(%arg0: i32) -> (i32, i32) {
    %c0_i32 = arith.constant 0 : i32
    %c0_i32_0 = arith.constant 0 : i32
    return %arg0, %c0_i32 : i32, i32
  }
  func.func @transform_8(%arg0: i32) -> (i32, i32) {
    %c0_i32 = arith.constant 0 : i32
    %c0_i32_0 = arith.constant 0 : i32
    return %arg0, %c0_i32 : i32, i32
  }
  func.func @transform_9(%arg0: i32) -> (i32, i32) {
    %c0_i32 = arith.constant 0 : i32
    %c0_i32_0 = arith.constant 0 : i32
    return %arg0, %c0_i32 : i32, i32
  }
}

module attributes {stable_mosaic.version = 14 : i64} {
  func.func @_finalize_body(%arg0: i32, %arg1: memref<1000x128xf32, #tpu.memory_space<vmem>>, %arg2: memref<2x1000x128xf32, #tpu.memory_space<vmem>>, %arg3: memref<2x1000x16xf32, #tpu.memory_space<vmem>>, %arg4: memref<16x128xf32, #tpu.memory_space<vmem>>, %arg5: memref<1x128xf32, #tpu.memory_space<vmem>>, %arg6: memref<1x128xf32, #tpu.memory_space<vmem>>, %arg7: memref<1x128xf32, #tpu.memory_space<vmem>>, %arg8: memref<1000x128xf32, #tpu.memory_space<vmem>>) attributes {dimension_semantics = [#tpu.dimension_semantics<arbitrary>], iteration_bounds = array<i64: 10>, scalar_prefetch = 0 : i64, scratch_operands = 0 : i64, tpu.core_type = #tpu.core_type<tc>, window_params = [{transform_indices = @transform_0, window_bounds = array<i64: 1000, 128>}, {transform_indices = @transform_1, window_bounds = array<i64: 2, 1000, 128>}, {transform_indices = @transform_2, window_bounds = array<i64: 2, 1000, 16>}, {pipeline_mode = #tpu.pipeline_mode<synchronous>, transform_indices = @transform_3, window_bounds = array<i64: 16, 128>}, {pipeline_mode = #tpu.pipeline_mode<synchronous>, transform_indices = @transform_4, window_bounds = array<i64: 1, 128>}, {pipeline_mode = #tpu.pipeline_mode<synchronous>, transform_indices = @transform_5, window_bounds = array<i64: 1, 128>}, {pipeline_mode = #tpu.pipeline_mode<synchronous>, transform_indices = @transform_6, window_bounds = array<i64: 1, 128>}, {transform_indices = @transform_7, window_bounds = array<i64: 1000, 128>}]} {
    %get3A = arith.constant 0 : index
    %get3A_0 = arith.constant 0 : index
    %get3A_1 = arith.constant 0 : index
    %get3A_2 = vector.load %arg2[%get3A, %get3A_0, %get3A_1] : memref<2x1000x128xf32, #tpu.memory_space<vmem>>, vector<1x1000x128xf32>
    %get3A_3 = vector.shape_cast %get3A_2 : vector<1x1000x128xf32> to vector<1000x128xf32>
    %get3A_4 = arith.constant 1 : index
    %get3A_5 = arith.constant 0 : index
    %get3A_6 = arith.constant 0 : index
    %get3A_7 = vector.load %arg2[%get3A_4, %get3A_5, %get3A_6] : memref<2x1000x128xf32, #tpu.memory_space<vmem>>, vector<1x1000x128xf32>
    %get3A_8 = vector.shape_cast %get3A_7 : vector<1x1000x128xf32> to vector<1000x128xf32>
    %add3A = arith.addf %get3A_3, %get3A_8 : vector<1000x128xf32>
    %get3A_9 = arith.constant 0 : index
    %get3A_10 = arith.constant 0 : index
    %get3A_11 = arith.constant 0 : index
    %get3A_12 = vector.load %arg3[%get3A_9, %get3A_10, %get3A_11] : memref<2x1000x16xf32, #tpu.memory_space<vmem>>, vector<1x1000x16xf32>
    %get3A_13 = vector.shape_cast %get3A_12 : vector<1x1000x16xf32> to vector<1000x16xf32>
    %get3A_14 = arith.constant 1 : index
    %get3A_15 = arith.constant 0 : index
    %get3A_16 = arith.constant 0 : index
    %get3A_17 = vector.load %arg3[%get3A_14, %get3A_15, %get3A_16] : memref<2x1000x16xf32, #tpu.memory_space<vmem>>, vector<1x1000x16xf32>
    %get3A_18 = vector.shape_cast %get3A_17 : vector<1x1000x16xf32> to vector<1000x16xf32>
    %add3A_19 = arith.addf %get3A_13, %get3A_18 : vector<1000x16xf32>
    %get3A_20 = arith.constant 0 : index
    %get3A_21 = arith.constant 0 : index
    %get3A_22 = vector.load %arg4[%get3A_20, %get3A_21] : memref<16x128xf32, #tpu.memory_space<vmem>>, vector<16x128xf32>
    %dot_general3A = arith.constant dense<0.000000e+00> : vector<1000x128xf32>
    %dot_general3A_23 = tpu.matmul %add3A_19, %get3A_22, %dot_general3A {dimension_numbers = #tpu.dot_dimension_numbers<[1], [0], [0], [1], [0, 0, 1, 1], [], []>, transpose_lhs_hint = false} : vector<1000x16xf32>, vector<16x128xf32>, vector<1000x128xf32> -> vector<1000x128xf32>
    %get3A_24 = arith.constant 0 : index
    %get3A_25 = arith.constant 0 : index
    %get3A_26 = vector.load %arg1[%get3A_24, %get3A_25] : memref<1000x128xf32, #tpu.memory_space<vmem>>, vector<1000x128xf32>
    %add3A_27 = arith.constant 1.000000e-16 : f32
    %add3A_28 = vector.broadcast %add3A_27 : f32 to vector<1000x128xf32>
    %add3A_29 = arith.addf %dot_general3A_23, %add3A_28 : vector<1000x128xf32>
    %div3A = arith.divf %add3A, %add3A_29 : vector<1000x128xf32>
    %add3A_30 = arith.addf %get3A_26, %div3A : vector<1000x128xf32>
    %get3A_31 = arith.constant 0 : index
    %get3A_32 = arith.constant 0 : index
    %get3A_33 = vector.load %arg5[%get3A_31, %get3A_32] : memref<1x128xf32, #tpu.memory_space<vmem>>, vector<1x128xf32>
    %add3A_34 = vector.broadcast %get3A_33 : vector<1x128xf32> to vector<1000x128xf32>
    %add3A_35 = arith.addf %add3A_30, %add3A_34 : vector<1000x128xf32>
    %reduce_sum3A = arith.constant dense<0.000000e+00> : vector<1000xf32>
    %reduce_sum3A_36 = vector.multi_reduction <add>, %add3A_35, %reduce_sum3A [1] : vector<1000x128xf32> to vector<1000xf32>
    %broadcast_in_dim3A = vector.shape_cast %reduce_sum3A_36 : vector<1000xf32> to vector<1000x1xf32>
    %div3A_37 = arith.constant 1.280000e+02 : f32
    %div3A_38 = vector.broadcast %div3A_37 : f32 to vector<1000x1xf32>
    %div3A_39 = arith.divf %broadcast_in_dim3A, %div3A_38 : vector<1000x1xf32>
    %sub3A = vector.broadcast %div3A_39 : vector<1000x1xf32> to vector<1000x128xf32>
    %sub3A_40 = arith.subf %add3A_35, %sub3A : vector<1000x128xf32>
    %mul3A = arith.mulf %sub3A_40, %sub3A_40 : vector<1000x128xf32>
    %reduce_sum3A_41 = arith.constant dense<0.000000e+00> : vector<1000xf32>
    %reduce_sum3A_42 = vector.multi_reduction <add>, %mul3A, %reduce_sum3A_41 [1] : vector<1000x128xf32> to vector<1000xf32>
    %broadcast_in_dim3A_43 = vector.shape_cast %reduce_sum3A_42 : vector<1000xf32> to vector<1000x1xf32>
    %div3A_44 = arith.constant 1.280000e+02 : f32
    %div3A_45 = vector.broadcast %div3A_44 : f32 to vector<1000x1xf32>
    %div3A_46 = arith.divf %broadcast_in_dim3A_43, %div3A_45 : vector<1000x1xf32>
    %add3A_47 = arith.constant 9.99999974E-6 : f32
    %add3A_48 = vector.broadcast %add3A_47 : f32 to vector<1000x1xf32>
    %add3A_49 = arith.addf %div3A_46, %add3A_48 : vector<1000x1xf32>
    %rsqrt3A = math.rsqrt %add3A_49 : vector<1000x1xf32>
    %mul3A_50 = vector.broadcast %rsqrt3A : vector<1000x1xf32> to vector<1000x128xf32>
    %mul3A_51 = arith.mulf %sub3A_40, %mul3A_50 : vector<1000x128xf32>
    %get3A_52 = arith.constant 0 : index
    %get3A_53 = arith.constant 0 : index
    %get3A_54 = vector.load %arg6[%get3A_52, %get3A_53] : memref<1x128xf32, #tpu.memory_space<vmem>>, vector<1x128xf32>
    %mul3A_55 = vector.broadcast %get3A_54 : vector<1x128xf32> to vector<1000x128xf32>
    %mul3A_56 = arith.mulf %mul3A_51, %mul3A_55 : vector<1000x128xf32>
    %get3A_57 = arith.constant 0 : index
    %get3A_58 = arith.constant 0 : index
    %get3A_59 = vector.load %arg7[%get3A_57, %get3A_58] : memref<1x128xf32, #tpu.memory_space<vmem>>, vector<1x128xf32>
    %add3A_60 = vector.broadcast %get3A_59 : vector<1x128xf32> to vector<1000x128xf32>
    %add3A_61 = arith.addf %mul3A_56, %add3A_60 : vector<1000x128xf32>
    %swap3A = arith.constant 0 : index
    %swap3A_62 = arith.constant 0 : index
    %swap3A_63 = vector.load %arg8[%swap3A, %swap3A_62] : memref<1000x128xf32, #tpu.memory_space<vmem>>, vector<1000x128xf32>
    tpu.vector_store %arg8[%swap3A, %swap3A_62], %add3A_61 {strides = array<i32>} : memref<1000x128xf32, #tpu.memory_space<vmem>>, vector<1000x128xf32>,
    return
  }
  func.func @transform_0(%arg0: i32) -> (i32, i32) {
    %c0_i32 = arith.constant 0 : i32
    %c0_i32_0 = arith.constant 0 : i32
    return %arg0, %c0_i32 : i32, i32
  }
  func.func @transform_1(%arg0: i32) -> (i32, i32, i32) {
    %c0_i32 = arith.constant 0 : i32
    %c0_i32_0 = arith.constant 0 : i32
    %c0_i32_1 = arith.constant 0 : i32
    return %c0_i32, %arg0, %c0_i32_0 : i32, i32, i32
  }
  func.func @transform_2(%arg0: i32) -> (i32, i32, i32) {
    %c0_i32 = arith.constant 0 : i32
    %c0_i32_0 = arith.constant 0 : i32
    %c0_i32_1 = arith.constant 0 : i32
    return %c0_i32, %arg0, %c0_i32_0 : i32, i32, i32
  }
  func.func @transform_3(%arg0: i32) -> (i32, i32) {
    %c0_i32 = arith.constant 0 : i32
    %c0_i32_0 = arith.constant 0 : i32
    %c0_i32_1 = arith.constant 0 : i32
    return %c0_i32, %c0_i32_0 : i32, i32
  }
  func.func @transform_4(%arg0: i32) -> (i32, i32) {
    %c0_i32 = arith.constant 0 : i32
    %c0_i32_0 = arith.constant 0 : i32
    %c0_i32_1 = arith.constant 0 : i32
    return %c0_i32, %c0_i32_0 : i32, i32
  }
  func.func @transform_5(%arg0: i32) -> (i32, i32) {
    %c0_i32 = arith.constant 0 : i32
    %c0_i32_0 = arith.constant 0 : i32
    %c0_i32_1 = arith.constant 0 : i32
    return %c0_i32, %c0_i32_0 : i32, i32
  }
  func.func @transform_6(%arg0: i32) -> (i32, i32) {
    %c0_i32 = arith.constant 0 : i32
    %c0_i32_0 = arith.constant 0 : i32
    %c0_i32_1 = arith.constant 0 : i32
    return %c0_i32, %c0_i32_0 : i32, i32
  }
  func.func @transform_7(%arg0: i32) -> (i32, i32) {
    %c0_i32 = arith.constant 0 : i32
    %c0_i32_0 = arith.constant 0 : i32
    return %arg0, %c0_i32 : i32, i32
  }
}

</mosaic_0001>

<sc_bundles>
// kernel: kernel.5.cloned.1.call-start
scs
__scs_entry_jumppad:
0x0: {  	(pc) =	sbr.rel $0x88, $3  }
0x1: {  	(tag) =	ssettag $0x0;
	lr =	simm.s32 $0x1  }
0x2: {  	[smem:$0x3F96] =	sst lr;
	_ =	strace $0xD0000000  }
0x3: {  	_ = 	snop  }
0x4: {  	_ = 	snop  }
0x5: {  	_ = 	snop  }
0x6: {  	_ = 	snop  }
0x7: {  	_ = 	snop  }
__scs_overlays_trampoline_lowered:
0x8: {  	[smem:$0x3FA5] =	sst s0  }
0x9: {  	[smem:$0x3FA6] =	sst s1  }
0xa: {  	[smem:$0x3FA7] =	sst s2  }
0xb: {  	[smem:$0x3FA8] =	sst s3  }
0xc: {  	[smem:$0x3FA9] =	sst s4  }
0xd: {  	[smem:$0x3FAA] =	sst s5  }
0xe: {  	[smem:$0x3FAB] =	sst s6  }
0xf: {  	[smem:$0x3FAC] =	sst s7  }
0x10: {  	[smem:$0x3FAD] =	sst s8  }
0x11: {  	[smem:$0x3FAE] =	sst s9;
	s0 =	simm.s32 @!p0 $0x0  }
0x12: {  	s1 =	sld [smem:$0x3F94];
	s0 =	simm.s32 @p0 $0x1  }
0x13: {  	[smem:$0x3FAF] =	sst s0;
	s0 =	simm.s32 @!p1 $0x0  }
0x14: {  	s2 =	sld [smem:$0x3F93];
	s0 =	simm.s32 @p1 $0x1  }
0x15: {  	[smem:$0x3FB0] =	sst s0;
	s0 =	simm.s32 @!p2 $0x0  }
0x16: {  	s3 =	sld [smem:$0x3FDB];
	s0 =	simm.s32 @p2 $0x1  }
0x17: {  	s4 =	simm.s32 $0x1BF5;
	[smem:$0x3FB2] =	sst s0  }
0x18: {  	s0 =	sld [smem:$0x3F95];
	_ =	swait.ge [sflag:s4], $0x0  }
0x19: {  	s7 =	sld [smem:$0x3F96]  }
0x1a: {  	s8 =	sadd.s32 $0xFFFFE003, lr  }
0x1b: {  	s9 =	sadd.s32 $0xFFFFFEF7, lr;
	s5 =	simm.s32 $0xFFFFFFFF;
	p2 =	slt.u32 s8, $0xFFFFF086  }
0x1c: {  	p1 =	slt.u32 s9, $0xF7A;
	s5 =	simm.s32 @!p2 $0x0  }
0x1d: {  	s5 =	simm.s32 @p1 $0x1;
	p0 =	seq.s32 s7, s2  }
0x1e: {  	s7 =	smul.u32 @!p0 $0xF7A, s2;
	p2 =	seq.s32 @!p0 s5, $0x0  }
0x1f: {  	s9 =	smul.u32 $0xF7A, s1;
	s8 =	simm.s32 @!p0 $0x1BF5;
	p2 =	por !p2, p0  }
0x20: {  	[sflag:s8] =	ssyncset.s32 @!p0 $0xFFFFF086;
	s6 =	sadd.s32 @!p0 s3, s7;
	s7 =	simm.s32 @!p0 $0x108  }
0x21: {  	s3 =	sadd.s32 s3, s9;
	s6 =	sadd.s32 @!p0 $0x88, s6;
	s7 =	simm.s32 @p2 $0x1082  }
0x22: {  	[simem:s7], [sflag:s8] =	dma.local @!p0 [hbm:s6], $0xF7A  }
0x23: {  	s9 =	sor.u32 $0xD0000000, s2;
	s6 =	simm.s32 $0x108;
	_ =	swait.ge @!p0 [sflag:s8], $0x0  }
0x24: {  	s3 =	sadd.s32 $0x88, s3;
	s6 =	simm.s32 @!p1 $0x1082;
	[sflag:s4] =	ssyncset.s32 $0xFFFFF086  }
0x25: {  	[simem:s6], [sflag:s4] =	dma.local [hbm:s3], $0xF7A  }
0x26: {  	[smem:$0x3F96] =	sst s1;
	(tag) =	ssettag s2;
	_ =	strace s9  }
0x27: {  	s1 =	sld [smem:$0x3FA6]  }
0x28: {  	s2 =	sld [smem:$0x3FA7]  }
0x29: {  	s4 =	sld [smem:$0x3FA9]  }
0x2a: {  	p0 =	seq.s32 s5, $0x0;
	s5 =	sld [smem:$0x3FAA]  }
0x2b: {  	s6 =	sld [smem:$0x3FAB]  }
0x2c: {  	s7 =	sld [smem:$0x3FAC]  }
0x2d: {  	s3 =	simm.s32 $0x108;
	s8 =	sld [smem:$0x3FAD]  }
0x2e: {  	s3 =	simm.s32 @!p0 $0x1082;
	s9 =	sld [smem:$0x3FAE]  }
0x2f: {  	lr =	sadd.s32 s0, s3;
	s0 =	sld [smem:$0x3FA5]  }
0x30: {  	s3 =	sld [smem:$0x3FA8]  }
0x31: {  	[smem:$0x3FB1] =	sst s10  }
0x32: {  	s10 =	sld [smem:$0x3FAF];
	_ =	sdelay $0x3  }
0x33: {  	p0 =	seq.s32 s10, $0x1;
	s10 =	sld [smem:$0x3FB1];
	_ =	sdelay $0x3  }
0x34: {  	[smem:$0x3FB1] =	sst s10  }
0x35: {  	s10 =	sld [smem:$0x3FB0];
	_ =	sdelay $0x3  }
0x36: {  	p1 =	seq.s32 s10, $0x1;
	s10 =	sld [smem:$0x3FB1];
	_ =	sdelay $0x3  }
0x37: {  	[smem:$0x3FB1] =	sst s10  }
0x38: {  	s10 =	sld [smem:$0x3FB2]  }
0x39: {  	_ = 	snop;
	(pc) =	sbr.ind lr, $3  }
0x3a: {  	_ = 	snop  }
0x3b: {  	_ = 	snop  }
0x3c: {  	p2 =	seq.s32 s10, $0x1;
	s10 =	sld [smem:$0x3FB1]  }
0x3d: {  	_ =	shalt  }
0x3e: {  	_ =	shalt  }
0x3f: {  	_ =	shalt  }
0x40: {  	_ =	shalt  }
0x41: {  	_ =	shalt  }
0x42: {  	_ =	shalt  }
0x43: {  	_ =	shalt  }
0x44: {  	_ =	shalt  }
0x45: {  	_ =	shalt  }
0x46: {  	_ =	shalt  }
0x47: {  	_ =	shalt  }
0x48: {  	_ =	shalt  }
0x49: {  	_ =	shalt  }
0x4a: {  	_ =	shalt  }
0x4b: {  	_ =	shalt  }
0x4c: {  	_ =	shalt  }
0x4d: {  	_ =	shalt  }
0x4e: {  	_ =	shalt  }
0x4f: {  	_ =	shalt  }
0x50: {  	_ =	shalt  }
0x51: {  	_ =	shalt  }
0x52: {  	_ =	shalt  }
0x53: {  	_ =	shalt  }
0x54: {  	_ =	shalt  }
0x55: {  	_ =	shalt  }
0x56: {  	_ =	shalt  }
0x57: {  	_ =	shalt  }
0x58: {  	_ =	shalt  }
0x59: {  	_ =	shalt  }
0x5a: {  	_ =	shalt  }
0x5b: {  	_ =	shalt  }
0x5c: {  	_ =	shalt  }
0x5d: {  	_ =	shalt  }
0x5e: {  	_ =	shalt  }
0x5f: {  	_ =	shalt  }
0x60: {  	_ =	shalt  }
0x61: {  	_ =	shalt  }
0x62: {  	_ =	shalt  }
0x63: {  	_ =	shalt  }
0x64: {  	_ =	shalt  }
0x65: {  	_ =	shalt  }
0x66: {  	_ =	shalt  }
0x67: {  	_ =	shalt  }
0x68: {  	_ =	shalt  }
0x69: {  	_ =	shalt  }
0x6a: {  	_ =	shalt  }
0x6b: {  	_ =	shalt  }
0x6c: {  	_ =	shalt  }
0x6d: {  	_ =	shalt  }
0x6e: {  	_ =	shalt  }
0x6f: {  	_ =	shalt  }
0x70: {  	_ =	shalt  }
0x71: {  	_ =	shalt  }
0x72: {  	_ =	shalt  }
0x73: {  	_ =	shalt  }
0x74: {  	_ =	shalt  }
0x75: {  	_ =	shalt  }
0x76: {  	_ =	shalt  }
0x77: {  	_ =	shalt  }
0x78: {  	_ =	shalt  }
0x79: {  	_ =	shalt  }
0x7a: {  	_ =	shalt  }
0x7b: {  	_ =	shalt  }
0x7c: {  	_ =	shalt  }
0x7d: {  	_ =	shalt  }
0x7e: {  	_ =	shalt  }
0x7f: {  	_ =	shalt  }
0x80: {  	_ =	shalt  }
0x81: {  	_ =	shalt  }
0x82: {  	_ =	shalt  }
0x83: {  	_ =	shalt  }
0x84: {  	_ =	shalt  }
0x85: {  	_ =	shalt  }
0x86: {  	_ =	shalt  }
0x87: {  	_ =	shalt  }
.Lfunc_end0:
.L_simem_size_0:
called_computation_lowered:
.L_overlay_start_0:
0x88: {  	s2 =	sld [smem:$0x3FD9]  }
0x89: {  	s3 =	sld [smem:$0x3FFE];
	_ =	sdelay $0x1  }
0x8a: {  	s1 =	srdreg.scid  }
0x8b: {  	s0 =	sand.u32 $0x1, s1  }
0x8c: {  	s17 =	sshll.u32 s0, $0xA;
	s2 =	sadd.s32 s3, s2  }
0x8d: {  	s2 =	sadd.s32 s2, s17  }
0x8e: {  	[smem:$0x3FBD] =	sst s2  }
0x8f: {  	_ = 	snop  }
0x90: {  	s2 =	sld [smem:$0x3FD0];
	(tm) =	ssettm $0x1  }
0x91: {  	s18 =	sld [smem:$0x3FFB];
	_ =	sdelay $0x3  }
0x92: {  	_ =	strace s18  }
0x93: {  	s3 =	sld [smem:$0x3FFC];
	_ =	sdelay $0x3  }
0x94: {  	_ =	strace s3  }
0x95: {  	s3 =	sld [smem:$0x3FFD];
	_ =	sdelay $0x3  }
0x96: {  	_ =	strace s3  }
0x97: {  	_ =	strace $0x8FFFFFFF  }
0x98: {  	s19 =	sld [smem:$0x3FDB];
	_ =	sdelay $0x1  }
0x99: {  	s4 =	simm.s32 $_scs_section_size  }
0x9a: {  	s5 =	simm.s32 $_size__tile_overlayer_lowered;
	s6 =	simm.s32 $_tile_overlayer_lowered  }
0x9b: {  	s22 =	simm.s32 $0x1BFF;
	s21 =	sshll.u32 s6, $0x1;
	s3 =	sadd.s32 s4, s19  }
0x9c: {  	s7 =	simm.s32 $0x0;
	s20 =	sshll.u32 s5, $0x1;
	s5 =	sadd.s32 s21, s3  }
0x9d: {  	[timem:s7], [sflag:s22] =	dma.local [hbm:s5], s20  }
0x9e: {  	_ =	swait.ge [sflag:s22], s20  }
0x9f: {  	s4 =	ssub.s32 $0x0, s20;
	[sflag:s22] =	ssyncset.done $0x0  }
0xa0: {  	[sflag:s22] =	ssyncadd.s32 s4;
	_ =	sdelay $0x1  }
0xa1: {  	s23 =	simm.s32 $0x1B8B  }
0xa2: {  	_ =	swait.ge [sflag:s23], $0x1  }
0xa3: {  	[sflag:s23] =	ssyncset.done $0x0  }
0xa4: {  	s25 =	simm.s32 $0x1B8E;
	s24 =	sld [smem:$0x3FFE];
	[sflag:s23] =	ssyncadd.s32 $0xFFFFFFFF  }
0xa5: {  	s26 =	simm.s32 $execute0_lowered;
	[smem:$0x3FD2] =	sst s25  }
0xa6: {  	s5 =	sshll.u32 s26, $0x1;
	_ =	strace $0x80000046;
	[dreg:$0x1] =	wrdreg $0xFFFFFFFF  }
0xa7: {  	s28 =	simm.s32 $_size_execute0_lowered;
	s3 =	sadd.s32 s3, s5;
	[dreg:$0x0] =	wrdreg $0x0  }
0xa8: {  	s5 =	sshll.u32 s28, $0x1;
	[dreg:$0x2] =	wrdreg s3  }
0xa9: {  	[dreg:$0x3] =	wrdreg s5  }
0xaa: {  	[dreg:$0x4] =	wrdreg $0xC0  }
0xab: {  	_ =	task [dreg:s7], $0x5FFFF  }
0xac: {  	[dreg:$0x1] =	wrdreg $0xFFFFFFFF  }
0xad: {  	[dreg:$0x0] =	wrdreg $0x60  }
0xae: {  	[dreg:$0x2] =	wrdreg s2  }
0xaf: {  	[dreg:$0x3] =	wrdreg s24  }
0xb0: {  	[dreg:$0x4] =	wrdreg $0x0  }
0xb1: {  	[dreg:$0x5] =	wrdreg $0x13C000  }
0xb2: {  	[dreg:$0x6] =	wrdreg $0x9  }
0xb3: {  	_ =	task.clear_ibuf [dreg:s7], $0x7FFFF;
	_ =	strace $0x90000046  }
0xb4: {  	s29 =	simm.s32 $0x9;
	_ =	strace $0x80000048  }
0xb5: {  	_ =	swait.ge [sflag:s29], $0x1  }
0xb6: {  	[sflag:s29] =	ssyncadd.s32 $0xFFFFFFFF  }
0xb7: {  	_ =	strace $0x90000048  }
0xb8: {  	_ =	sfence  }
0xb9: {  	s30 =	sld [smem:$0x0];
	_ =	sdelay $0x2  }
0xba: {  	s31 =	sshll.u32 s1, $0xD;
	s1 =	sshrl.u32 s1, $0x2  }
0xbb: {  	s3 =	sand.u32 $0x4000, s31;
	s1 =	sadd.s32 s1, s30  }
0xbc: {  	s0 =	sor.u32 s3, s0;
	s1 =	sshll.u32 s1, $0x11  }
0xbd: {  	s0 =	sor.u32 s1, s0  }
0xbe: {  	s0 =	sadd.s32 $0x8F2B, s0  }
0xbf: {  	[sflag:s0] =	ssyncadd.remote.s32 $0x1  }
0xc0: {  	_ =	sfence.sel $0xFFFF  }
0xc1: {  	[dreg:$0x0] =	wrdreg $0xFFFFFFFF;
	(pc) =	sbr.abs _section_cstart, $3  }
0xc2: {  	[dreg:$0x1] =	wrdreg $0xFFFFFFFF  }
0xc3: {  	_ =	task.clear_ibuf [dreg:s7], $0x2FFFF;
	_ =	strace $0x9FFFFFFF  }
0xc4: {  	(tm) =	ssettm $0x7FFFFFFF  }
0xc5: {  	_ =	shalt  }
tec
execute0_lowered:
.L_overlay_start_1:
0x0: {  	(tag) =	ssettag $0x1  }
0x1: {  	s1 =	rddreg [dreg:$0x0]  }
0x2: {  	s0 =	rddreg [dreg:$0x1]  }
0x3: {  	s2 =	rddreg [dreg:$0x2]  }
0x4: {  	s4 =	rddreg [dreg:$0x3]  }
0x5: {  	s5 =	simm.s32 $0x0;
	s20 =	stileid.u32;
	s7 =	srdreg.scid  }
0x6: {  	s28 =	simm.s32 $0x16E20;
	s29 =	simm.s32 $0x2;
	s30 =	simm.s32 $0x3  }
0x7: {  	s31 =	simm.s32 $0x17320;
	[smem:$0x7FF] =	sst s5;
	s3 =	smul.u32 $0x13C00, s20  }
0x8: {  	s6 =	sadd.s32 $0x9D400, s0;
	s11 =	smul.u32 $0x2780, s20;
	s12 =	sand.u32 $0x1, s7  }
0x9: {  	s7 =	sadd.s32 $0xA2400, s0;
	s8 =	sadd.s32 $0xA7400, s0;
	s9 =	sadd.s32 $0xAE00, s0  }
0xa: {  	s10 =	sadd.s32 $0x1000, s0;
	s19 =	sshll.u32 s20, $0x1;
	s13 =	smul.u32 $0x13C000, s12  }
0xb: {  	s24 =	sshll.u32 s20, $0x6;
	_ =	strace $0x80000047;
	s16 =	smul.u32 $0x27800, s12  }
0xc: {  	s17 =	ssub.s32 $0x2, s12;
	s22 =	sor.u32 s12, s19;
	s12 =	sor.u32 $0x1C04, s24  }
0xd: {  	s19 =	simm.s32 $0x4;
	s24 =	simm.s32 $0x17820;
	s14 =	sshrl.u32 s3, $0x3  }
0xe: {  	s15 =	sshrl.u32 s11, $0x3;
	s18 =	sshrl.u32 s17, $0x1;
	s13 =	sadd.s32 s3, s13  }
0xf: {  	s14 =	sadd.s32 s14, s0;
	s15 =	sadd.s32 s15, s0;
	s16 =	sadd.s32 s11, s16  }
0x10: {  	s21 =	ssub.s32 s17, s18;
	s3 =	sadd.s32 s3, s2;
	s11 =	sadd.s32 s11, s4  }
0x11: {  	s13 =	sshrl.u32 s13, $0x3;
	s16 =	sshrl.u32 s16, $0x3;
	s23 =	sadd.s32 $0x14C00, s14  }
0x12: {  	s25 =	sadd.s32 $0x3C400, s15;
	s14 =	smul.u32 $0x2710, s22;
	s26 =	smax.u32 s21, $0x1  }
0x13: {  	s11 =	sshrl.u32 s11, $0x3;
	s21 =	simm.s32 $0x16380;
	[dreg:$0x5] =	wrdreg s23  }
0x14: {  	s22 =	simm.s32 $0x163D0;
	s13 =	sadd.s32 s13, s0;
	[dreg:$0x6] =	wrdreg s25  }
0x15: {  	s0 =	sadd.s32 s16, s0;
	[dreg:$0x9] =	wrdreg s26;
	s23 =	simm.s32 $0x50  }
0x16: {  	s25 =	simm.s32 $0x16420;
	[dreg:$0xa] =	wrdreg s11;
	s13 =	sadd.s32 $0x4B200, s13  }
0x17: {  	v0 =	vimm.s32 $0x0;
	s26 =	simm.s32 $0x16920;
	s0 =	sadd.s32 $0x41400, s0;
	[dreg:$0x7] =	wrdreg s13  }
0x18: {  	v1 =	vimm.s32 $0x1;
	v2 =	vimm.s32 $0x2;
	v3 =	vimm.s32 $0x3;
	[dreg:$0x8] =	wrdreg s0;
	s13 =	sshrl.u32 s3, $0x3;
	s0 =	simm.s32 $0x1  }
.LBB2_1:
0x19: {  	s3 =	rddreg [dreg:$0x5]  }
0x1a: {  	[spmem:s13], [sflag:s12] =	dma.local [hbm:s3], $0x2780  }
0x1b: {  	_ =	swait.ge [sflag:s19], $0x2780  }
0x1c: {  	[sflag:s19] =	ssyncset.done $0x0  }
0x1d: {  	s18 =	rddreg [dreg:$0x6];
	[sflag:s19] =	ssyncadd.s32 $0xFFFFD880  }
0x1e: {  	[spmem:s11], [sflag:s12] =	dma.local [hbm:s18], $0x4F0  }
0x1f: {  	_ =	swait.ge [sflag:s19], $0x4F0  }
0x20: {  	[sflag:s19] =	ssyncset.done $0x0  }
0x21: {  	[sflag:s19] =	ssyncadd.s32 $0xFFFFFB10  }
0x22: {  	s20 =	smov.u32 s13;
	s3 =	simm.s32 $0x0;
	[bflag:$0x0] =	sbarrier.arrive $0xFFFF  }
.LBB2_2:
0x23: {  	s11 =	smul.u32 $0x50, s3;
	_ =	sdelay $0x1  }
0x24: {  	s11 =	sadd.s32 s14, s11  }
0x25: {  	s13 =	sshrl.u32 s11, $0x3  }
0x26: {  	s16 =	simm.s32 $0x0;
	s15 =	sadd.s32 s9, s13  }
0x27: {  	[tilespmem:s21], [sflag:$0x4] =	stream.linear.gather [hbm4b:s15+s16], $0x50, $0x38;
	[tilespmem:$0x1A020] =	vst v63  }
0x28: {  	_ =	swait.ge [sflag:s19], $0x50  }
0x29: {  	[sflag:s19] =	ssyncset.done $0x0  }
0x2a: {  	s13 =	sadd.s32 s10, s13;
	[sflag:s19] =	ssyncadd.s32 $0xFFFFFFB0  }
0x2b: {  	[tilespmem:s22], [sflag:$0x4] =	stream.linear.gather [hbm4b:s13+s16], $0x50, $0x38;
	[tilespmem:$0x1A020] =	vst v63  }
0x2c: {  	_ =	swait.ge [sflag:s19], $0x50  }
0x2d: {  	[sflag:s19] =	ssyncset.done $0x0  }
0x2e: {  	[sflag:s19] =	ssyncadd.s32 $0xFFFFFFB0  }
0x2f: {  	[tilespmem:s24], [sflag:$0x1] =	stream.indirect.gather [hbm4b:s1+s23], $0x80, s21, s23, $0xb8;
	[tilespmem:$0x1A020] =	vst v63  }
0x30: {  	_ = 	snop  }
0x31: {  	[tilespmem:s25], [sflag:$0x2] =	stream.indirect.gather [hbm4b:s6+s23], $0x10, s21, s23, $0xb8;
	[tilespmem:$0x1A020] =	vst v63  }
0x32: {  	s11 =	sshll.u32 s11, $0x1  }
0x33: {  	[tilespmem:s26], [sflag:$0x3] =	stream.indirect.gather [hbm4b:s7+s23], $0x10, s22, s23, $0xb8;
	[tilespmem:$0x1A020] =	vst v63  }
0x34: {  	s11 =	sadd.s32 s8, s11  }
0x35: {  	[tilespmem:s28], [sflag:$0x4] =	stream.linear.gather [hbm4b:s11+s16], $0x500, $0x38;
	[tilespmem:$0x1A020] =	vst v63  }
0x36: {  	_ =	swait.ge [sflag:s19], $0x500  }
0x37: {  	[sflag:s19] =	ssyncset.done $0x0  }
0x38: {  	[sflag:s19] =	ssyncadd.s32 $0xFFFFFB00  }
0x39: {  	_ =	swait.ge [sflag:s29], $0x500  }
0x3a: {  	[sflag:s29] =	ssyncset.done $0x0  }
0x3b: {  	[sflag:s29] =	ssyncadd.s32 $0xFFFFFB00  }
0x3c: {  	_ =	swait.ge [sflag:s30], $0x500  }
0x3d: {  	[sflag:s30] =	ssyncset.done $0x0  }
0x3e: {  	s11 =	simm.s32 $0x0;
	[sflag:s30] =	ssyncadd.s32 $0xFFFFFB00  }
0x3f: {  	v4 =	vld [tilespmem:s11+$0x16420]  }
0x40: {  	s13 =	simm.s32 $0x10;
	v5 =	vld [tilespmem:s11+$0x16920]  }
0x41: {  	v6 =	vld [tilespmem:s13+$0x16420]  }
0x42: {  	v7 =	vld [tilespmem:s13+$0x16920]  }
0x43: {  	v8 =	vld [tilespmem:s11+$0x16E20];
	_ =	sdelay $0x1  }
0x44: {  	v9 =	vld [tilespmem:s13+$0x16E20]  }
0x45: {  	s15 =	simm.s32 $0x20;
	v4 =	vadd.f32 v5, v4  }
0x46: {  	v5 =	vld [tilespmem:s15+$0x16420]  }
0x47: {  	v6 =	vadd.f32 v7, v6;
	v7 =	vld [tilespmem:s15+$0x16920];
	v4 =	vadd.f32 v8, v4;
	_ =	sdelay $0x1  }
0x48: {  	v6 =	vadd.f32 v9, v6;
	v9 =	vmul.f32 $2.000000030e-01, v4  }
0x49: {  	vm0 =	vge.f32 v4, $0.0e+00  }
0x4a: {  	v4 =	vsel vm0, v4, v9  }
0x4b: {  	v5 =	vadd.f32 v7, v5;
	v7 =	vmul.f32 $1.442695020e+00, v4  }
0x4c: {  	v10 =	vmul.f32 $2.000000030e-01, v6  }
0x4d: {  	v8 =	vld [tilespmem:s15+$0x16E20];
	vm15 =	vge.f32 v6, $0.0e+00;
	(erf) = vpow2.f32 v7  }
0x4e: {  	v6 =	vsel vm15, v6, v10  }
0x4f: {  	s16 =	simm.s32 $0x30;
	v9 =	vmul.f32 $1.442695020e+00, v6  }
0x50: {  	v4 =	vld [tilespmem:s16+$0x16420]  }
0x51: {  	v7 =	vld [tilespmem:s16+$0x16920];
	(erf) = vpow2.f32 v9  }
0x52: {  	v5 =	vadd.f32 v8, v5  }
0x53: {  	v6 =	vld [tilespmem:s16+$0x16E20]  }
0x54: {  	s17 =	simm.s32 $0x100;
	v8 =	vmul.f32 $2.000000030e-01, v5  }
.LBB2_3:
0x55: {  	s18 =	sshra.s32 s17, $0x2;
	vm0 =	vge.f32 v5, $0.0e+00;
	p0 =	sne.s32 s17, $0x13C0  }
.Ltmp0:
0x56: {  	s17 =	sadd.s32 $0x40, s17;
	v9 =	vadd.f32 v7, v4;
	v4 =	vld [tilespmem:s18+$0x16420];
	v5 =	vsel vm0, v5, v8;
	v8 =	vpop (erf);
	(pc) =	sbr.rel @p0 .LBB2_3-.Ltmp0, $4  }
0x57: {  	v7 =	vld [tilespmem:s18+$0x16920];
	v10 =	vmul.f32 $1.442695020e+00, v5;
	[tilespmem:s11+$0x17320] =	vst v8;
	s11 =	smov.u32 s13;
	s13 =	smov.u32 s15;
	s15 =	smov.u32 s16  }
0x58: {  	s16 =	smov.u32 s18;
	v5 =	vadd.f32 v6, v9  }
0x59: {  	v6 =	vld [tilespmem:s16+$0x16E20];
	(erf) = vpow2.f32 v10  }
0x5a: {  	v8 =	vmul.f32 $2.000000030e-01, v5  }
0x5b: {  	_ = 	snop  }
0x5c: {  	v4 =	vadd.f32 v7, v4;
	_ =	sdelay $0x1  }
0x5d: {  	v4 =	vadd.f32 v6, v4;
	_ =	sdelay $0x1  }
0x5e: {  	vm0 =	vge.f32 v5, $0.0e+00;
	v6 =	vmul.f32 $2.000000030e-01, v4  }
0x5f: {  	v5 =	vsel vm0, v5, v8;
	vm15 =	vge.f32 v4, $0.0e+00  }
0x60: {  	v5 =	vmul.f32 $1.442695020e+00, v5;
	v4 =	vsel vm15, v4, v6  }
0x61: {  	v4 =	vmul.f32 $1.442695020e+00, v4  }
0x62: {  	(erf) = vpow2.f32 v5  }
0x63: {  	(erf) = vpow2.f32 v4;
	_ =	sdelay $0x5  }
0x64: {  	v4 =	vpop (erf)  }
0x65: {  	v5 =	vpop (erf);
	[tilespmem:s11+$0x17320] =	vst v4  }
0x66: {  	[tilespmem:s13+$0x17320] =	vst v5;
	v4 =	vpop (erf)  }
0x67: {  	[tilespmem:s15+$0x17320] =	vst v4;
	v4 =	vpop (erf)  }
0x68: {  	[tilespmem:s16+$0x17320] =	vst v4  }
0x69: {  	[spmem:s4] =	stream.indirect.scatter.add.f32 [tilespmem:s31], [sflag:$0x4], $0x10, s22, s23, $0xb8;
	[tilespmem:$0x1A020] =	vst v63  }
0x6a: {  	_ =	swait.ge [sflag:s19], $0x500  }
0x6b: {  	[sflag:s19] =	ssyncset.done $0x0  }
0x6c: {  	[sflag:s19] =	ssyncadd.s32 $0xFFFFFB00  }
0x6d: {  	_ =	swait.ge [sflag:s0], $0x2800  }
0x6e: {  	[sflag:s0] =	ssyncset.done $0x0  }
0x6f: {  	s11 =	simm.s32 $0x17860;
	[sflag:s0] =	ssyncadd.s32 $0xFFFFD800  }
0x70: {  	s18 =	simm.s32 $0x0;
	v11 =	vld [tilespmem:s11+$0xFFFFFFD0]  }
0x71: {  	v6 =	vld [tilespmem:s18+$0x17320]  }
0x72: {  	v9 =	vld [tilespmem:s11+$0x20]  }
0x73: {  	v12 =	vld [tilespmem:s11+$0xFFFFFFC0]  }
0x74: {  	v15 =	vld [tilespmem:s11+$0xFFFFFFE0]  }
0x75: {  	v4 =	vld [tilespmem:s11+$0xFFFFFFF0]  }
0x76: {  	v5 =	vld [tilespmem:s11+$0x30];
	v13 =	vperm.xlane v6, v0;
	v10 =	vperm.xlane v6, v3  }
0x77: {  	v7 =	vld [tilespmem:s11+$0x0];
	v8 =	vperm.xlane v6, v1  }
0x78: {  	v14 =	vmul.f32 v12, v13;
	v12 =	vmul.f32 v9, v10;
	v9 =	vld [tilespmem:s11+$0x10]  }
0x79: {  	v6 =	vperm.xlane v6, v2  }
0x7a: {  	s13 =	simm.s32 $0x40;
	s15 =	simm.s32 $0x17860;
	v13 =	vmul.f32 v11, v13;
	v11 =	vmul.f32 v15, v8  }
.LBB2_5:
0x7b: {  	p0 =	sne.s32 s13, $0x13C0  }
0x7c: {  	[tilespmem:s11+$0xFFFFFFC0] =	vst v14;
	v7 =	vmul.f32 v7, v6;
	v5 =	vmul.f32 v5, v10;
	s15 =	sadd.s32 $0x80, s15;
	s16 =	smov.u32 s13;
	s13 =	sadd.s32 $0x40, s13  }
0x7d: {  	v8 =	vmul.f32 v4, v8;
	v6 =	vmul.f32 v9, v6;
	[tilespmem:s11+$0x20] =	vst v12  }
0x7e: {  	[tilespmem:s11+$0xFFFFFFD0] =	vst v13  }
0x7f: {  	[tilespmem:s11+$0xFFFFFFE0] =	vst v11  }
0x80: {  	[tilespmem:s11+$0x30] =	vst v5  }
0x81: {  	v4 =	vld [tilespmem:s15+$0xFFFFFFF0];
	[tilespmem:s11+$0x10] =	vst v6  }
0x82: {  	v11 =	vld [tilespmem:s15+$0xFFFFFFD0];
	[tilespmem:s11+$0xFFFFFFF0] =	vst v8  }
0x83: {  	s16 =	sshra.s32 s16, $0x2;
	v12 =	vld [tilespmem:s15+$0x20];
	[tilespmem:s11+$0x0] =	vst v7;
	s11 =	smov.u32 s15  }
0x84: {  	v6 =	vld [tilespmem:s16+$0x17320]  }
0x85: {  	v5 =	vld [tilespmem:s15+$0x30]  }
0x86: {  	v13 =	vld [tilespmem:s15+$0xFFFFFFC0]  }
0x87: {  	v15 =	vld [tilespmem:s15+$0xFFFFFFE0]  }
.Ltmp1:
0x88: {  	v7 =	vld [tilespmem:s15+$0x0];
	(pc) =	sbr.rel @p0 .LBB2_5-.Ltmp1, $4  }
0x89: {  	v16 =	vperm.xlane v6, v0;
	v9 =	vld [tilespmem:s15+$0x10];
	v10 =	vperm.xlane v6, v3  }
0x8a: {  	v8 =	vperm.xlane v6, v1;
	v6 =	vperm.xlane v6, v2  }
0x8b: {  	v14 =	vmul.f32 v13, v16;
	v12 =	vmul.f32 v12, v10  }
0x8c: {  	v13 =	vmul.f32 v11, v16;
	v11 =	vmul.f32 v15, v8  }
0x8d: {  	[tilespmem:s11+$0xFFFFFFC0] =	vst v14  }
0x8e: {  	[tilespmem:s11+$0x20] =	vst v12  }
0x8f: {  	v5 =	vmul.f32 v5, v10;
	[tilespmem:s11+$0xFFFFFFD0] =	vst v13  }
0x90: {  	v4 =	vmul.f32 v4, v8;
	[tilespmem:s11+$0xFFFFFFE0] =	vst v11  }
0x91: {  	v9 =	vmul.f32 v9, v6;
	[tilespmem:s11+$0x30] =	vst v5  }
0x92: {  	s3 =	sadd.s32 $0x1, s3;
	v5 =	vmul.f32 v7, v6;
	[tilespmem:s11+$0xFFFFFFF0] =	vst v4  }
0x93: {  	p0 =	sne.s32 s3, $0x7D;
	[tilespmem:s11+$0x10] =	vst v9  }
.Ltmp2:
0x94: {  	[tilespmem:s11+$0x0] =	vst v5;
	(pc) =	sbr.rel @p0 .LBB2_2-.Ltmp2, $4  }
0x95: {  	[spmem:s2] =	stream.indirect.scatter.add.f32 [tilespmem:s24], [sflag:$0x4], $0x80, s22, s23, $0xb8;
	[tilespmem:$0x1A020] =	vst v63  }
0x96: {  	_ =	swait.ge [sflag:s19], $0x2800  }
0x97: {  	[sflag:s19] =	ssyncset.done $0x0  }
0x98: {  	[sflag:s19] =	ssyncadd.s32 $0xFFFFD800  }
0x99: {  	[bflag:$0x0] =	sbarrier.arrive $0xFFFF  }
0x9a: {  	s3 =	rddreg [dreg:$0x7]  }
0x9b: {  	[hbm:s3], [sflag:s12] =	dma.local [spmem:s20], $0x2780  }
0x9c: {  	_ =	swait.ge [sflag:s19], $0x2780  }
0x9d: {  	[sflag:s19] =	ssyncset.done $0x0;
	s18 =	rddreg [dreg:$0x8]  }
0x9e: {  	s11 =	rddreg [dreg:$0xa];
	[sflag:s19] =	ssyncadd.s32 $0xFFFFD880  }
0x9f: {  	[hbm:s18], [sflag:s12] =	dma.local [spmem:s11], $0x4F0  }
0xa0: {  	_ =	swait.ge [sflag:s19], $0x4F0  }
0xa1: {  	s13 =	smov.u32 s20;
	s5 =	sadd.s32 $0x1, s5;
	s20 =	rddreg [dreg:$0x9]  }
0xa2: {  	p0 =	sne.s32 s5, s20  }
.Ltmp3:
0xa3: {  	_ = 	snop;
	(pc) =	sbr.rel @p0 .LBB2_1-.Ltmp3, $3  }
0xa4: {  	_ =	sdelay $0x1  }
0xa5: {  	[sflag:s19] =	ssyncset.done $0x0  }
0xa6: {  	[sflag:s19] =	ssyncadd.s32 $0xFFFFFB10  }
0xa7: {  	_ =	sfence.sel $0x180000  }
0xa8: {  	[bflag:$0x0] =	sbarrier.arrive $0xFFFF  }
0xa9: {  	_ =	strace $0x90000047  }
0xaa: {  	s0 =	stileid.u32;
	[bflag:$0x2] =	sbarrier.arrive $0xFFFF  }
0xab: {  	p0 =	sne.s32 s0, $0x0;
	s0 =	rddreg [dreg:$0x4]  }
0xac: {  	s0 =	sadd.s32 @!p0 $0x100000, s0  }
0xad: {  	[sflag:s0] =	ssyncadd.tile.s32 @!p0 $0x1;
	_ =	shalt  }
.Lfunc_end2:
_tile_overlayer_lowered:
.L_overlay_start_2:
0xae: {  	(tag) =	ssettag $0x2  }
0xaf: {  	s0 =	rddreg [dreg:$0x0];
	s2 =	stileid.u32  }
0xb0: {  	s1 =	rddreg [dreg:$0x1];
	p0 =	sne.s32 s2, $0x0  }
0xb1: {  	s3 =	rddreg [dreg:$0x2];
	[bflag:$0x3] =	sbarrier.arrive $0xFFFF;
	s2 =	simm.s32 @!p0 $0x1C04  }
0xb2: {  	[timem:s3], [sflag:s2] =	dma.local @!p0 [hbm:s0], s1  }
0xb3: {  	s0 =	simm.s32 @!p0 $0x4  }
0xb4: {  	_ =	swait.ge @!p0 [sflag:s0], s1  }
0xb5: {  	s1 =	ssub.s32 @!p0 $0x0, s1;
	[sflag:s0] =	ssyncset.done @!p0 $0x0  }
0xb6: {  	[sflag:s0] =	ssyncadd.s32 @!p0 s1  }
0xb7: {  	[bflag:$0x3] =	sbarrier.arrive $0xFFFF  }
0xb8: {  	_ =	shalt  }

</sc_bundles>
